<compile_context>
chip_gen: v7x
topology: tpu7x:2x2x1
jax: 0.10.2.dev20260603
libtpu: 0.0.44.dev20260713+nightly
codegen_flags: <defaults>
</compile_context>

<pallas_src>
import jax
import jax.numpy as jnp
from jax import lax
from jax.experimental import pallas as pl
from jax.experimental.pallas import tpu as pltpu
from jax.experimental.pallas import tpu_sc as plsc

VALUE_MIN_ = -1.0
VALUE_MAX_ = 1.0
ATOMS_ = 128
LANES = 16


def _build_sc_call(n):
    info = plsc.get_sparse_core_info()
    nc, ns = info.num_cores, info.num_subcores
    nw = nc * ns
    rows_per_w = n // nw
    chunk = 128 if rows_per_w % 512 == 0 else rows_per_w
    nchunk = rows_per_w // chunk
    nbuf = 4
    groups = chunk // LANES
    const_norm = (ATOMS_ - 1) / (VALUE_MAX_ - VALUE_MIN_)

    mesh = plsc.VectorSubcoreMesh(core_axis_name="c", subcore_axis_name="s")

    def body(value_hbm, out_hbm, vals, bufs, idxs, sems):
        cid = lax.axis_index("c")
        sid = lax.axis_index("s")
        wid = sid * nc + cid
        row0 = wid * rows_per_w
        in_copy = pltpu.make_async_copy(
            value_hbm.at[pl.ds(row0, rows_per_w)], vals, sems[0]
        )
        in_copy.start()

        iota = lax.iota(jnp.int32, LANES)
        zeros16 = jnp.zeros((LANES,), jnp.float32)

        def zero_buf(buf):
            def zbody(k, carry):
                base = k * (8 * LANES)
                for j in range(8):
                    buf[pl.ds(base + j * LANES, LANES)] = zeros16
                return carry

            lax.fori_loop(0, chunk * ATOMS_ // (8 * LANES), zbody, 0)

        zero_buf(bufs[0])
        in_copy.wait()

        def bins(c, g):
            v = vals[pl.ds(c * chunk + g * LANES, LANES)]
            v = jnp.clip(v, VALUE_MIN_, VALUE_MAX_)
            vn = (v - VALUE_MIN_) * const_norm
            vn = jnp.clip(vn, 0.0, float(ATOMS_ - 1))
            lo = vn.astype(jnp.int32)
            frac = vn - lo.astype(jnp.float32)
            up = jnp.minimum(lo + 1, ATOMS_ - 1)
            fb = (g * LANES + iota) * ATOMS_
            return fb + lo, fb + up, frac

        def write_chunk(c, buf, idx):
            def gbody(g, carry):
                ilo, iup, frac = bins(c, g)
                plsc.store_scatter(buf, [ilo], 1.0 - frac)
                plsc.addupdate_scatter(buf, [iup], frac)
                idx[pl.ds(g * LANES, LANES)] = ilo
                idx[pl.ds(chunk + g * LANES, LANES)] = iup
                return carry

            lax.fori_loop(0, groups, gbody, 0)

        def zero_chunk(buf, idx):
            def gbody(g, carry):
                plsc.store_scatter(buf, [idx[pl.ds(g * LANES, LANES)]], zeros16)
                plsc.store_scatter(buf, [idx[pl.ds(chunk + g * LANES, LANES)]], zeros16)
                return carry

            lax.fori_loop(0, groups, gbody, 0)

        def dma(c, buf, sem):
            dst = out_hbm.at[pl.ds((row0 + c * chunk) * ATOMS_, chunk * ATOMS_)]
            return pltpu.make_async_copy(buf, dst, sem)

        for b in range(nbuf):
            if b > 0:
                zero_buf(bufs[b])
            write_chunk(b, bufs[b], idxs[b])
            dma(b, bufs[b], sems[b]).start()

        def cbody(t, carry):
            for b in range(nbuf):
                c = nbuf * t + b
                dma(c - nbuf, bufs[b], sems[b]).wait()
                zero_chunk(bufs[b], idxs[b])
                write_chunk(c, bufs[b], idxs[b])
                dma(c, bufs[b], sems[b]).start()
            return carry

        lax.fori_loop(1, nchunk // nbuf, cbody, 0)
        for b in range(nbuf):
            dma(nchunk - nbuf + b, bufs[b], sems[b]).wait()

    return pl.kernel(
        body,
        out_type=jax.ShapeDtypeStruct((n * ATOMS_,), jnp.float32),
        mesh=mesh,
        scratch_types=[
            pltpu.VMEM((rows_per_w,), jnp.float32),
            [pltpu.VMEM((chunk * ATOMS_,), jnp.float32) for _ in range(nbuf)],
            [pltpu.VMEM((2 * chunk,), jnp.int32) for _ in range(nbuf)],
            [pltpu.SemaphoreType.DMA for _ in range(nbuf)],
        ],
        compiler_params=pltpu.CompilerParams(needs_layout_passes=False),
    )


@jax.jit
def kernel(value):
    n = value.shape[0]
    out = _build_sc_call(n)(value.reshape(n))
    return out.reshape(n, ATOMS_)

# --- scband reference (transcript-rebuilt; emitter-appended) ---
"""Pipeline reference for scband-histogram-converter-22308060136048 (READ-ONLY COPY).

The authoritative reference and input builder live on the scoring server;
editing this copy changes nothing except your own understanding.
"""

import jax, jax.numpy as jnp
import numpy as np

VALUE_MIN = -1.0
VALUE_MAX = 1.0
ATOMS = 128


def setup_inputs(seed: int = 0) -> dict:
    key = jax.random.key(seed)
    value = jax.random.normal(key, (131072, 1), dtype=jnp.float32)
    return {"value": value}


def reference(value):
    # HistogramConverter.to_histogram (two-hot projection onto fixed support)
    const_norm = (ATOMS - 1) / (VALUE_MAX - VALUE_MIN)
    v = jnp.clip(value, VALUE_MIN, VALUE_MAX)
    value_normalized = (v - VALUE_MIN) * const_norm
    value_normalized = jnp.clip(value_normalized, 0.0, ATOMS - 1)
    upper = jnp.ceil(value_normalized).astype(jnp.int32)
    lower = jnp.floor(value_normalized).astype(jnp.int32)
    upper_weight = jnp.mod(value_normalized, 1.0)
    lower_weight = 1.0 - upper_weight
    n = value.shape[0]
    rows = jnp.arange(n)[:, None]
    dist = jnp.zeros((n, ATOMS), dtype=value.dtype)
    dist = dist.at[rows, lower].add(lower_weight)
    dist = dist.at[rows, upper].add(upper_weight)
    return dist

if __name__ == "__main__":
    import jax
    _d = setup_inputs()
    print(jax.jit(kernel)(*tuple(_d.values())))

</pallas_src>

<mosaic_0001>
#map = affine_map<(d0, d1) -> (0)>
module attributes {stable_mosaic.version = 14 : i64} {
  func.func @body(%arg0: i32, %arg1: i32, %arg2: memref<131072xf32, #tpu.memory_space<hbm>>, %arg3: memref<16777216xf32, #tpu.memory_space<hbm>>, %arg4: memref<4096xf32, #tpu.memory_space<vmem>>, %arg5: memref<16384xf32, #tpu.memory_space<vmem>>, %arg6: memref<16384xf32, #tpu.memory_space<vmem>>, %arg7: memref<16384xf32, #tpu.memory_space<vmem>>, %arg8: memref<16384xf32, #tpu.memory_space<vmem>>, %arg9: memref<256xi32, #tpu.memory_space<vmem>>, %arg10: memref<256xi32, #tpu.memory_space<vmem>>, %arg11: memref<256xi32, #tpu.memory_space<vmem>>, %arg12: memref<256xi32, #tpu.memory_space<vmem>>, %arg13: memref<!tpu.dma_semaphore, #tpu.memory_space<semaphore_mem>>, %arg14: memref<!tpu.dma_semaphore, #tpu.memory_space<semaphore_mem>>, %arg15: memref<!tpu.dma_semaphore, #tpu.memory_space<semaphore_mem>>, %arg16: memref<!tpu.dma_semaphore, #tpu.memory_space<semaphore_mem>>) attributes {dimension_semantics = [#tpu.dimension_semantics<core_parallel>, #tpu.dimension_semantics<subcore_parallel>], iteration_bounds = array<i64: 2, 16>, scalar_prefetch = 0 : i64, scratch_operands = 13 : i64, tpu.core_type = #tpu.core_type<sc_vector_subcore>, window_params = [{transform_indices = #map}, {transform_indices = #map}]} {
    %mul3A = arith.constant 2 : i32
    %mul3A_0 = arith.muli %arg1, %mul3A : i32
    %add3A = arith.addi %mul3A_0, %arg0 : i32
    %mul3A_1 = arith.constant 4096 : i32
    %mul3A_2 = arith.muli %add3A, %mul3A_1 : i32
    %dma_start3A = tpu.memref_slice %arg2[%mul3A_2] : memref<131072xf32, #tpu.memory_space<hbm>> -> memref<4096xf32, #tpu.memory_space<hbm>>
    %dma_start3A_3 = tpu.memref_slice %arg2[%mul3A_2] : memref<131072xf32, #tpu.memory_space<hbm>> -> memref<4096xf32, #tpu.memory_space<hbm>>
    tpu.enqueue_dma source(%dma_start3A_3 : memref<4096xf32, #tpu.memory_space<hbm>>) target(%arg4 : memref<4096xf32, #tpu.memory_space<vmem>>) target_semaphore(%arg13 : memref<!tpu.dma_semaphore, #tpu.memory_space<semaphore_mem>>)
    %iota3A = tpu.iota {dimensions = array<i32: 0>} : vector<16xi32>
    %broadcast_in_dim3A = arith.constant 0.000000e+00 : f32
    %broadcast_in_dim3A_4 = vector.broadcast %broadcast_in_dim3A : f32 to vector<16xf32>
    %scan3A = arith.constant 0 : i32
    %scan3A_5 = arith.constant 0 : i32
    %scan3A_6 = arith.constant 128 : i32
    %scan3A_7 = arith.addi %scan3A_5, %scan3A_6 : i32
    %scan3A_8 = arith.constant 1 : i32
    scf.for %scan3A_107 = %scan3A_5 to %scan3A_7 step %scan3A_8  : i32 {
      %mul3A_108 = arith.constant 128 : i32
      %mul3A_109 = arith.muli %scan3A_107, %mul3A_108 : i32
      %add3A_110 = arith.constant 0 : i32
      %add3A_111 = arith.addi %mul3A_109, %add3A_110 : i32
      %swap3A = arith.index_cast %add3A_111 : i32 to index
      %swap3A_112 = tpu.vector_load %arg5[%swap3A] {strides = array<i32>} : memref<16384xf32, #tpu.memory_space<vmem>>, vector<16xf32>,
      tpu.vector_store %arg5[%swap3A], %broadcast_in_dim3A_4 {strides = array<i32>} : memref<16384xf32, #tpu.memory_space<vmem>>, vector<16xf32>,
      %add3A_113 = arith.constant 16 : i32
      %add3A_114 = arith.addi %mul3A_109, %add3A_113 : i32
      %swap3A_115 = arith.index_cast %add3A_114 : i32 to index
      %swap3A_116 = tpu.vector_load %arg5[%swap3A_115] {strides = array<i32>} : memref<16384xf32, #tpu.memory_space<vmem>>, vector<16xf32>,
      tpu.vector_store %arg5[%swap3A_115], %broadcast_in_dim3A_4 {strides = array<i32>} : memref<16384xf32, #tpu.memory_space<vmem>>, vector<16xf32>,
      %add3A_117 = arith.constant 32 : i32
      %add3A_118 = arith.addi %mul3A_109, %add3A_117 : i32
      %swap3A_119 = arith.index_cast %add3A_118 : i32 to index
      %swap3A_120 = tpu.vector_load %arg5[%swap3A_119] {strides = array<i32>} : memref<16384xf32, #tpu.memory_space<vmem>>, vector<16xf32>,
      tpu.vector_store %arg5[%swap3A_119], %broadcast_in_dim3A_4 {strides = array<i32>} : memref<16384xf32, #tpu.memory_space<vmem>>, vector<16xf32>,
      %add3A_121 = arith.constant 48 : i32
      %add3A_122 = arith.addi %mul3A_109, %add3A_121 : i32
      %swap3A_123 = arith.index_cast %add3A_122 : i32 to index
      %swap3A_124 = tpu.vector_load %arg5[%swap3A_123] {strides = array<i32>} : memref<16384xf32, #tpu.memory_space<vmem>>, vector<16xf32>,
      tpu.vector_store %arg5[%swap3A_123], %broadcast_in_dim3A_4 {strides = array<i32>} : memref<16384xf32, #tpu.memory_space<vmem>>, vector<16xf32>,
      %add3A_125 = arith.constant 64 : i32
      %add3A_126 = arith.addi %mul3A_109, %add3A_125 : i32
      %swap3A_127 = arith.index_cast %add3A_126 : i32 to index
      %swap3A_128 = tpu.vector_load %arg5[%swap3A_127] {strides = array<i32>} : memref<16384xf32, #tpu.memory_space<vmem>>, vector<16xf32>,
      tpu.vector_store %arg5[%swap3A_127], %broadcast_in_dim3A_4 {strides = array<i32>} : memref<16384xf32, #tpu.memory_space<vmem>>, vector<16xf32>,
      %add3A_129 = arith.constant 80 : i32
      %add3A_130 = arith.addi %mul3A_109, %add3A_129 : i32
      %swap3A_131 = arith.index_cast %add3A_130 : i32 to index
      %swap3A_132 = tpu.vector_load %arg5[%swap3A_131] {strides = array<i32>} : memref<16384xf32, #tpu.memory_space<vmem>>, vector<16xf32>,
      tpu.vector_store %arg5[%swap3A_131], %broadcast_in_dim3A_4 {strides = array<i32>} : memref<16384xf32, #tpu.memory_space<vmem>>, vector<16xf32>,
      %add3A_133 = arith.constant 96 : i32
      %add3A_134 = arith.addi %mul3A_109, %add3A_133 : i32
      %swap3A_135 = arith.index_cast %add3A_134 : i32 to index
      %swap3A_136 = tpu.vector_load %arg5[%swap3A_135] {strides = array<i32>} : memref<16384xf32, #tpu.memory_space<vmem>>, vector<16xf32>,
      tpu.vector_store %arg5[%swap3A_135], %broadcast_in_dim3A_4 {strides = array<i32>} : memref<16384xf32, #tpu.memory_space<vmem>>, vector<16xf32>,
      %add3A_137 = arith.constant 112 : i32
      %add3A_138 = arith.addi %mul3A_109, %add3A_137 : i32
      %swap3A_139 = arith.index_cast %add3A_138 : i32 to index
      %swap3A_140 = tpu.vector_load %arg5[%swap3A_139] {strides = array<i32>} : memref<16384xf32, #tpu.memory_space<vmem>>, vector<16xf32>,
      tpu.vector_store %arg5[%swap3A_139], %broadcast_in_dim3A_4 {strides = array<i32>} : memref<16384xf32, #tpu.memory_space<vmem>>, vector<16xf32>,
    }
    %scan3A_9 = arith.constant 128 : i32
    %dma_wait3A = tpu.memref_slice %arg2[%mul3A_2] : memref<131072xf32, #tpu.memory_space<hbm>> -> memref<4096xf32, #tpu.memory_space<hbm>>
    %dma_wait3A_10 = tpu.memref_slice %arg2[%mul3A_2] : memref<131072xf32, #tpu.memory_space<hbm>> -> memref<4096xf32, #tpu.memory_space<hbm>>
    tpu.wait_dma2 semaphore(%arg13 : memref<!tpu.dma_semaphore, #tpu.memory_space<semaphore_mem>>) src(%dma_wait3A_10 : memref<4096xf32, #tpu.memory_space<hbm>>) dst(%arg4 : memref<4096xf32, #tpu.memory_space<vmem>>)
    %scan3A_11 = arith.constant 0 : i32
    %scan3A_12 = arith.constant 0 : i32
    %scan3A_13 = arith.constant 8 : i32
    %scan3A_14 = arith.addi %scan3A_12, %scan3A_13 : i32
    %scan3A_15 = arith.constant 1 : i32
    scf.for %scan3A_107 = %scan3A_12 to %scan3A_14 step %scan3A_15  : i32 {
      %mul3A_108 = arith.constant 16 : i32
      %mul3A_109 = arith.muli %scan3A_107, %mul3A_108 : i32
      %add3A_110 = arith.constant 0 : i32
      %add3A_111 = arith.addi %add3A_110, %mul3A_109 : i32
      %get3A = arith.index_cast %add3A_111 : i32 to index
      %get3A_112 = tpu.vector_load %arg4[%get3A] {strides = array<i32>} : memref<4096xf32, #tpu.memory_space<vmem>>, vector<16xf32>,
      %jit3A = arith.constant -1.000000e+00 : f32
      %jit3A_113 = arith.constant 1.000000e+00 : f32
      %max3A = vector.broadcast %jit3A : f32 to vector<16xf32>
      %max3A_114 = arith.maximumf %max3A, %get3A_112 : vector<16xf32>
      %min3A = vector.broadcast %jit3A_113 : f32 to vector<16xf32>
      %min3A_115 = arith.minimumf %min3A, %max3A_114 : vector<16xf32>
      %sub3A = arith.constant -1.000000e+00 : f32
      %sub3A_116 = vector.broadcast %sub3A : f32 to vector<16xf32>
      %sub3A_117 = arith.subf %min3A_115, %sub3A_116 : vector<16xf32>
      %mul3A_118 = arith.constant 6.350000e+01 : f32
      %mul3A_119 = vector.broadcast %mul3A_118 : f32 to vector<16xf32>
      %mul3A_120 = arith.mulf %sub3A_117, %mul3A_119 : vector<16xf32>
      %jit3A_121 = arith.constant 0.000000e+00 : f32
      %jit3A_122 = arith.constant 1.270000e+02 : f32
      %max3A_123 = vector.broadcast %jit3A_121 : f32 to vector<16xf32>
      %max3A_124 = arith.maximumf %max3A_123, %mul3A_120 : vector<16xf32>
      %min3A_125 = vector.broadcast %jit3A_122 : f32 to vector<16xf32>
      %min3A_126 = arith.minimumf %min3A_125, %max3A_124 : vector<16xf32>
      %convert_element_type3A = arith.fptosi %min3A_126 : vector<16xf32> to vector<16xi32>
      %convert_element_type3A_127 = arith.sitofp %convert_element_type3A : vector<16xi32> to vector<16xf32>
      %sub3A_128 = arith.subf %min3A_126, %convert_element_type3A_127 : vector<16xf32>
      %add3A_129 = arith.constant 1 : i32
      %add3A_130 = vector.broadcast %add3A_129 : i32 to vector<16xi32>
      %add3A_131 = arith.addi %convert_element_type3A, %add3A_130 : vector<16xi32>
      %min3A_132 = arith.constant 127 : i32
      %min3A_133 = vector.broadcast %min3A_132 : i32 to vector<16xi32>
      %min3A_134 = arith.minsi %add3A_131, %min3A_133 : vector<16xi32>
      %mul3A_135 = arith.constant 16 : i32
      %mul3A_136 = arith.muli %scan3A_107, %mul3A_135 : i32
      %add3A_137 = vector.broadcast %mul3A_136 : i32 to vector<16xi32>
      %add3A_138 = arith.addi %add3A_137, %iota3A : vector<16xi32>
      %mul3A_139 = arith.constant 128 : i32
      %mul3A_140 = vector.broadcast %mul3A_139 : i32 to vector<16xi32>
      %mul3A_141 = arith.muli %add3A_138, %mul3A_140 : vector<16xi32>
      %add3A_142 = arith.addi %mul3A_141, %convert_element_type3A : vector<16xi32>
      %add3A_143 = arith.addi %mul3A_141, %min3A_134 : vector<16xi32>
      %sub3A_144 = arith.constant 1.000000e+00 : f32
      %sub3A_145 = vector.broadcast %sub3A_144 : f32 to vector<16xf32>
      %sub3A_146 = arith.subf %sub3A_145, %sub3A_128 : vector<16xf32>
      tpu.vector_store_idx %arg5[%add3A_142], %sub3A_146 : memref<16384xf32, #tpu.memory_space<vmem>>[vector<16xi32>], vector<16xf32>,
      tpu.vector_store_idx %arg5[%add3A_143], %sub3A_128 {add = true} : memref<16384xf32, #tpu.memory_space<vmem>>[vector<16xi32>], vector<16xf32>,
      %mul3A_147 = arith.constant 16 : i32
      %mul3A_148 = arith.muli %scan3A_107, %mul3A_147 : i32
      %swap3A = arith.index_cast %mul3A_148 : i32 to index
      %swap3A_149 = tpu.vector_load %arg9[%swap3A] {strides = array<i32>} : memref<256xi32, #tpu.memory_space<vmem>>, vector<16xi32>,
      tpu.vector_store %arg9[%swap3A], %add3A_142 {strides = array<i32>} : memref<256xi32, #tpu.memory_space<vmem>>, vector<16xi32>,
      %mul3A_150 = arith.constant 16 : i32
      %mul3A_151 = arith.muli %scan3A_107, %mul3A_150 : i32
      %add3A_152 = arith.constant 128 : i32
      %add3A_153 = arith.addi %add3A_152, %mul3A_151 : i32
      %swap3A_154 = arith.index_cast %add3A_153 : i32 to index
      %swap3A_155 = tpu.vector_load %arg9[%swap3A_154] {strides = array<i32>} : memref<256xi32, #tpu.memory_space<vmem>>, vector<16xi32>,
      tpu.vector_store %arg9[%swap3A_154], %add3A_143 {strides = array<i32>} : memref<256xi32, #tpu.memory_space<vmem>>, vector<16xi32>,
    }
    %scan3A_16 = arith.constant 8 : i32
    %add3A_17 = arith.constant 0 : i32
    %add3A_18 = arith.addi %mul3A_2, %add3A_17 : i32
    %mul3A_19 = arith.constant 128 : i32
    %mul3A_20 = arith.muli %add3A_18, %mul3A_19 : i32
    %dma_start3A_21 = tpu.memref_slice %arg3[%mul3A_20] : memref<16777216xf32, #tpu.memory_space<hbm>> -> memref<16384xf32, #tpu.memory_space<hbm>>
    %dma_start3A_22 = tpu.memref_slice %arg3[%mul3A_20] : memref<16777216xf32, #tpu.memory_space<hbm>> -> memref<16384xf32, #tpu.memory_space<hbm>>
    tpu.enqueue_dma source(%arg5 : memref<16384xf32, #tpu.memory_space<vmem>>) target(%dma_start3A_22 : memref<16384xf32, #tpu.memory_space<hbm>>) target_semaphore(%arg13 : memref<!tpu.dma_semaphore, #tpu.memory_space<semaphore_mem>>)
    %scan3A_23 = arith.constant 0 : i32
    %scan3A_24 = arith.constant 0 : i32
    %scan3A_25 = arith.constant 128 : i32
    %scan3A_26 = arith.addi %scan3A_24, %scan3A_25 : i32
    %scan3A_27 = arith.constant 1 : i32
    scf.for %scan3A_107 = %scan3A_24 to %scan3A_26 step %scan3A_27  : i32 {
      %mul3A_108 = arith.constant 128 : i32
      %mul3A_109 = arith.muli %scan3A_107, %mul3A_108 : i32
      %add3A_110 = arith.constant 0 : i32
      %add3A_111 = arith.addi %mul3A_109, %add3A_110 : i32
      %swap3A = arith.index_cast %add3A_111 : i32 to index
      %swap3A_112 = tpu.vector_load %arg6[%swap3A] {strides = array<i32>} : memref<16384xf32, #tpu.memory_space<vmem>>, vector<16xf32>,
      tpu.vector_store %arg6[%swap3A], %broadcast_in_dim3A_4 {strides = array<i32>} : memref<16384xf32, #tpu.memory_space<vmem>>, vector<16xf32>,
      %add3A_113 = arith.constant 16 : i32
      %add3A_114 = arith.addi %mul3A_109, %add3A_113 : i32
      %swap3A_115 = arith.index_cast %add3A_114 : i32 to index
      %swap3A_116 = tpu.vector_load %arg6[%swap3A_115] {strides = array<i32>} : memref<16384xf32, #tpu.memory_space<vmem>>, vector<16xf32>,
      tpu.vector_store %arg6[%swap3A_115], %broadcast_in_dim3A_4 {strides = array<i32>} : memref<16384xf32, #tpu.memory_space<vmem>>, vector<16xf32>,
      %add3A_117 = arith.constant 32 : i32
      %add3A_118 = arith.addi %mul3A_109, %add3A_117 : i32
      %swap3A_119 = arith.index_cast %add3A_118 : i32 to index
      %swap3A_120 = tpu.vector_load %arg6[%swap3A_119] {strides = array<i32>} : memref<16384xf32, #tpu.memory_space<vmem>>, vector<16xf32>,
      tpu.vector_store %arg6[%swap3A_119], %broadcast_in_dim3A_4 {strides = array<i32>} : memref<16384xf32, #tpu.memory_space<vmem>>, vector<16xf32>,
      %add3A_121 = arith.constant 48 : i32
      %add3A_122 = arith.addi %mul3A_109, %add3A_121 : i32
      %swap3A_123 = arith.index_cast %add3A_122 : i32 to index
      %swap3A_124 = tpu.vector_load %arg6[%swap3A_123] {strides = array<i32>} : memref<16384xf32, #tpu.memory_space<vmem>>, vector<16xf32>,
      tpu.vector_store %arg6[%swap3A_123], %broadcast_in_dim3A_4 {strides = array<i32>} : memref<16384xf32, #tpu.memory_space<vmem>>, vector<16xf32>,
      %add3A_125 = arith.constant 64 : i32
      %add3A_126 = arith.addi %mul3A_109, %add3A_125 : i32
      %swap3A_127 = arith.index_cast %add3A_126 : i32 to index
      %swap3A_128 = tpu.vector_load %arg6[%swap3A_127] {strides = array<i32>} : memref<16384xf32, #tpu.memory_space<vmem>>, vector<16xf32>,
      tpu.vector_store %arg6[%swap3A_127], %broadcast_in_dim3A_4 {strides = array<i32>} : memref<16384xf32, #tpu.memory_space<vmem>>, vector<16xf32>,
      %add3A_129 = arith.constant 80 : i32
      %add3A_130 = arith.addi %mul3A_109, %add3A_129 : i32
      %swap3A_131 = arith.index_cast %add3A_130 : i32 to index
      %swap3A_132 = tpu.vector_load %arg6[%swap3A_131] {strides = array<i32>} : memref<16384xf32, #tpu.memory_space<vmem>>, vector<16xf32>,
      tpu.vector_store %arg6[%swap3A_131], %broadcast_in_dim3A_4 {strides = array<i32>} : memref<16384xf32, #tpu.memory_space<vmem>>, vector<16xf32>,
      %add3A_133 = arith.constant 96 : i32
      %add3A_134 = arith.addi %mul3A_109, %add3A_133 : i32
      %swap3A_135 = arith.index_cast %add3A_134 : i32 to index
      %swap3A_136 = tpu.vector_load %arg6[%swap3A_135] {strides = array<i32>} : memref<16384xf32, #tpu.memory_space<vmem>>, vector<16xf32>,
      tpu.vector_store %arg6[%swap3A_135], %broadcast_in_dim3A_4 {strides = array<i32>} : memref<16384xf32, #tpu.memory_space<vmem>>, vector<16xf32>,
      %add3A_137 = arith.constant 112 : i32
      %add3A_138 = arith.addi %mul3A_109, %add3A_137 : i32
      %swap3A_139 = arith.index_cast %add3A_138 : i32 to index
      %swap3A_140 = tpu.vector_load %arg6[%swap3A_139] {strides = array<i32>} : memref<16384xf32, #tpu.memory_space<vmem>>, vector<16xf32>,
      tpu.vector_store %arg6[%swap3A_139], %broadcast_in_dim3A_4 {strides = array<i32>} : memref<16384xf32, #tpu.memory_space<vmem>>, vector<16xf32>,
    }
    %scan3A_28 = arith.constant 128 : i32
    %scan3A_29 = arith.constant 0 : i32
    %scan3A_30 = arith.constant 0 : i32
    %scan3A_31 = arith.constant 8 : i32
    %scan3A_32 = arith.addi %scan3A_30, %scan3A_31 : i32
    %scan3A_33 = arith.constant 1 : i32
    scf.for %scan3A_107 = %scan3A_30 to %scan3A_32 step %scan3A_33  : i32 {
      %mul3A_108 = arith.constant 16 : i32
      %mul3A_109 = arith.muli %scan3A_107, %mul3A_108 : i32
      %add3A_110 = arith.constant 128 : i32
      %add3A_111 = arith.addi %add3A_110, %mul3A_109 : i32
      %get3A = arith.index_cast %add3A_111 : i32 to index
      %get3A_112 = tpu.vector_load %arg4[%get3A] {strides = array<i32>} : memref<4096xf32, #tpu.memory_space<vmem>>, vector<16xf32>,
      %jit3A = arith.constant -1.000000e+00 : f32
      %jit3A_113 = arith.constant 1.000000e+00 : f32
      %max3A = vector.broadcast %jit3A : f32 to vector<16xf32>
      %max3A_114 = arith.maximumf %max3A, %get3A_112 : vector<16xf32>
      %min3A = vector.broadcast %jit3A_113 : f32 to vector<16xf32>
      %min3A_115 = arith.minimumf %min3A, %max3A_114 : vector<16xf32>
      %sub3A = arith.constant -1.000000e+00 : f32
      %sub3A_116 = vector.broadcast %sub3A : f32 to vector<16xf32>
      %sub3A_117 = arith.subf %min3A_115, %sub3A_116 : vector<16xf32>
      %mul3A_118 = arith.constant 6.350000e+01 : f32
      %mul3A_119 = vector.broadcast %mul3A_118 : f32 to vector<16xf32>
      %mul3A_120 = arith.mulf %sub3A_117, %mul3A_119 : vector<16xf32>
      %jit3A_121 = arith.constant 0.000000e+00 : f32
      %jit3A_122 = arith.constant 1.270000e+02 : f32
      %max3A_123 = vector.broadcast %jit3A_121 : f32 to vector<16xf32>
      %max3A_124 = arith.maximumf %max3A_123, %mul3A_120 : vector<16xf32>
      %min3A_125 = vector.broadcast %jit3A_122 : f32 to vector<16xf32>
      %min3A_126 = arith.minimumf %min3A_125, %max3A_124 : vector<16xf32>
      %convert_element_type3A = arith.fptosi %min3A_126 : vector<16xf32> to vector<16xi32>
      %convert_element_type3A_127 = arith.sitofp %convert_element_type3A : vector<16xi32> to vector<16xf32>
      %sub3A_128 = arith.subf %min3A_126, %convert_element_type3A_127 : vector<16xf32>
      %add3A_129 = arith.constant 1 : i32
      %add3A_130 = vector.broadcast %add3A_129 : i32 to vector<16xi32>
      %add3A_131 = arith.addi %convert_element_type3A, %add3A_130 : vector<16xi32>
      %min3A_132 = arith.constant 127 : i32
      %min3A_133 = vector.broadcast %min3A_132 : i32 to vector<16xi32>
      %min3A_134 = arith.minsi %add3A_131, %min3A_133 : vector<16xi32>
      %mul3A_135 = arith.constant 16 : i32
      %mul3A_136 = arith.muli %scan3A_107, %mul3A_135 : i32
      %add3A_137 = vector.broadcast %mul3A_136 : i32 to vector<16xi32>
      %add3A_138 = arith.addi %add3A_137, %iota3A : vector<16xi32>
      %mul3A_139 = arith.constant 128 : i32
      %mul3A_140 = vector.broadcast %mul3A_139 : i32 to vector<16xi32>
      %mul3A_141 = arith.muli %add3A_138, %mul3A_140 : vector<16xi32>
      %add3A_142 = arith.addi %mul3A_141, %convert_element_type3A : vector<16xi32>
      %add3A_143 = arith.addi %mul3A_141, %min3A_134 : vector<16xi32>
      %sub3A_144 = arith.constant 1.000000e+00 : f32
      %sub3A_145 = vector.broadcast %sub3A_144 : f32 to vector<16xf32>
      %sub3A_146 = arith.subf %sub3A_145, %sub3A_128 : vector<16xf32>
      tpu.vector_store_idx %arg6[%add3A_142], %sub3A_146 : memref<16384xf32, #tpu.memory_space<vmem>>[vector<16xi32>], vector<16xf32>,
      tpu.vector_store_idx %arg6[%add3A_143], %sub3A_128 {add = true} : memref<16384xf32, #tpu.memory_space<vmem>>[vector<16xi32>], vector<16xf32>,
      %mul3A_147 = arith.constant 16 : i32
      %mul3A_148 = arith.muli %scan3A_107, %mul3A_147 : i32
      %swap3A = arith.index_cast %mul3A_148 : i32 to index
      %swap3A_149 = tpu.vector_load %arg10[%swap3A] {strides = array<i32>} : memref<256xi32, #tpu.memory_space<vmem>>, vector<16xi32>,
      tpu.vector_store %arg10[%swap3A], %add3A_142 {strides = array<i32>} : memref<256xi32, #tpu.memory_space<vmem>>, vector<16xi32>,
      %mul3A_150 = arith.constant 16 : i32
      %mul3A_151 = arith.muli %scan3A_107, %mul3A_150 : i32
      %add3A_152 = arith.constant 128 : i32
      %add3A_153 = arith.addi %add3A_152, %mul3A_151 : i32
      %swap3A_154 = arith.index_cast %add3A_153 : i32 to index
      %swap3A_155 = tpu.vector_load %arg10[%swap3A_154] {strides = array<i32>} : memref<256xi32, #tpu.memory_space<vmem>>, vector<16xi32>,
      tpu.vector_store %arg10[%swap3A_154], %add3A_143 {strides = array<i32>} : memref<256xi32, #tpu.memory_space<vmem>>, vector<16xi32>,
    }
    %scan3A_34 = arith.constant 8 : i32
    %add3A_35 = arith.constant 128 : i32
    %add3A_36 = arith.addi %mul3A_2, %add3A_35 : i32
    %mul3A_37 = arith.constant 128 : i32
    %mul3A_38 = arith.muli %add3A_36, %mul3A_37 : i32
    %dma_start3A_39 = tpu.memref_slice %arg3[%mul3A_38] : memref<16777216xf32, #tpu.memory_space<hbm>> -> memref<16384xf32, #tpu.memory_space<hbm>>
    %dma_start3A_40 = tpu.memref_slice %arg3[%mul3A_38] : memref<16777216xf32, #tpu.memory_space<hbm>> -> memref<16384xf32, #tpu.memory_space<hbm>>
    tpu.enqueue_dma source(%arg6 : memref<16384xf32, #tpu.memory_space<vmem>>) target(%dma_start3A_40 : memref<16384xf32, #tpu.memory_space<hbm>>) target_semaphore(%arg14 : memref<!tpu.dma_semaphore, #tpu.memory_space<semaphore_mem>>)
    %scan3A_41 = arith.constant 0 : i32
    %scan3A_42 = arith.constant 0 : i32
    %scan3A_43 = arith.constant 128 : i32
    %scan3A_44 = arith.addi %scan3A_42, %scan3A_43 : i32
    %scan3A_45 = arith.constant 1 : i32
    scf.for %scan3A_107 = %scan3A_42 to %scan3A_44 step %scan3A_45  : i32 {
      %mul3A_108 = arith.constant 128 : i32
      %mul3A_109 = arith.muli %scan3A_107, %mul3A_108 : i32
      %add3A_110 = arith.constant 0 : i32
      %add3A_111 = arith.addi %mul3A_109, %add3A_110 : i32
      %swap3A = arith.index_cast %add3A_111 : i32 to index
      %swap3A_112 = tpu.vector_load %arg7[%swap3A] {strides = array<i32>} : memref<16384xf32, #tpu.memory_space<vmem>>, vector<16xf32>,
      tpu.vector_store %arg7[%swap3A], %broadcast_in_dim3A_4 {strides = array<i32>} : memref<16384xf32, #tpu.memory_space<vmem>>, vector<16xf32>,
      %add3A_113 = arith.constant 16 : i32
      %add3A_114 = arith.addi %mul3A_109, %add3A_113 : i32
      %swap3A_115 = arith.index_cast %add3A_114 : i32 to index
      %swap3A_116 = tpu.vector_load %arg7[%swap3A_115] {strides = array<i32>} : memref<16384xf32, #tpu.memory_space<vmem>>, vector<16xf32>,
      tpu.vector_store %arg7[%swap3A_115], %broadcast_in_dim3A_4 {strides = array<i32>} : memref<16384xf32, #tpu.memory_space<vmem>>, vector<16xf32>,
      %add3A_117 = arith.constant 32 : i32
      %add3A_118 = arith.addi %mul3A_109, %add3A_117 : i32
      %swap3A_119 = arith.index_cast %add3A_118 : i32 to index
      %swap3A_120 = tpu.vector_load %arg7[%swap3A_119] {strides = array<i32>} : memref<16384xf32, #tpu.memory_space<vmem>>, vector<16xf32>,
      tpu.vector_store %arg7[%swap3A_119], %broadcast_in_dim3A_4 {strides = array<i32>} : memref<16384xf32, #tpu.memory_space<vmem>>, vector<16xf32>,
      %add3A_121 = arith.constant 48 : i32
      %add3A_122 = arith.addi %mul3A_109, %add3A_121 : i32
      %swap3A_123 = arith.index_cast %add3A_122 : i32 to index
      %swap3A_124 = tpu.vector_load %arg7[%swap3A_123] {strides = array<i32>} : memref<16384xf32, #tpu.memory_space<vmem>>, vector<16xf32>,
      tpu.vector_store %arg7[%swap3A_123], %broadcast_in_dim3A_4 {strides = array<i32>} : memref<16384xf32, #tpu.memory_space<vmem>>, vector<16xf32>,
      %add3A_125 = arith.constant 64 : i32
      %add3A_126 = arith.addi %mul3A_109, %add3A_125 : i32
      %swap3A_127 = arith.index_cast %add3A_126 : i32 to index
      %swap3A_128 = tpu.vector_load %arg7[%swap3A_127] {strides = array<i32>} : memref<16384xf32, #tpu.memory_space<vmem>>, vector<16xf32>,
      tpu.vector_store %arg7[%swap3A_127], %broadcast_in_dim3A_4 {strides = array<i32>} : memref<16384xf32, #tpu.memory_space<vmem>>, vector<16xf32>,
      %add3A_129 = arith.constant 80 : i32
      %add3A_130 = arith.addi %mul3A_109, %add3A_129 : i32
      %swap3A_131 = arith.index_cast %add3A_130 : i32 to index
      %swap3A_132 = tpu.vector_load %arg7[%swap3A_131] {strides = array<i32>} : memref<16384xf32, #tpu.memory_space<vmem>>, vector<16xf32>,
      tpu.vector_store %arg7[%swap3A_131], %broadcast_in_dim3A_4 {strides = array<i32>} : memref<16384xf32, #tpu.memory_space<vmem>>, vector<16xf32>,
      %add3A_133 = arith.constant 96 : i32
      %add3A_134 = arith.addi %mul3A_109, %add3A_133 : i32
      %swap3A_135 = arith.index_cast %add3A_134 : i32 to index
      %swap3A_136 = tpu.vector_load %arg7[%swap3A_135] {strides = array<i32>} : memref<16384xf32, #tpu.memory_space<vmem>>, vector<16xf32>,
      tpu.vector_store %arg7[%swap3A_135], %broadcast_in_dim3A_4 {strides = array<i32>} : memref<16384xf32, #tpu.memory_space<vmem>>, vector<16xf32>,
      %add3A_137 = arith.constant 112 : i32
      %add3A_138 = arith.addi %mul3A_109, %add3A_137 : i32
      %swap3A_139 = arith.index_cast %add3A_138 : i32 to index
      %swap3A_140 = tpu.vector_load %arg7[%swap3A_139] {strides = array<i32>} : memref<16384xf32, #tpu.memory_space<vmem>>, vector<16xf32>,
      tpu.vector_store %arg7[%swap3A_139], %broadcast_in_dim3A_4 {strides = array<i32>} : memref<16384xf32, #tpu.memory_space<vmem>>, vector<16xf32>,
    }
    %scan3A_46 = arith.constant 128 : i32
    %scan3A_47 = arith.constant 0 : i32
    %scan3A_48 = arith.constant 0 : i32
    %scan3A_49 = arith.constant 8 : i32
    %scan3A_50 = arith.addi %scan3A_48, %scan3A_49 : i32
    %scan3A_51 = arith.constant 1 : i32
    scf.for %scan3A_107 = %scan3A_48 to %scan3A_50 step %scan3A_51  : i32 {
      %mul3A_108 = arith.constant 16 : i32
      %mul3A_109 = arith.muli %scan3A_107, %mul3A_108 : i32
      %add3A_110 = arith.constant 256 : i32
      %add3A_111 = arith.addi %add3A_110, %mul3A_109 : i32
      %get3A = arith.index_cast %add3A_111 : i32 to index
      %get3A_112 = tpu.vector_load %arg4[%get3A] {strides = array<i32>} : memref<4096xf32, #tpu.memory_space<vmem>>, vector<16xf32>,
      %jit3A = arith.constant -1.000000e+00 : f32
      %jit3A_113 = arith.constant 1.000000e+00 : f32
      %max3A = vector.broadcast %jit3A : f32 to vector<16xf32>
      %max3A_114 = arith.maximumf %max3A, %get3A_112 : vector<16xf32>
      %min3A = vector.broadcast %jit3A_113 : f32 to vector<16xf32>
      %min3A_115 = arith.minimumf %min3A, %max3A_114 : vector<16xf32>
      %sub3A = arith.constant -1.000000e+00 : f32
      %sub3A_116 = vector.broadcast %sub3A : f32 to vector<16xf32>
      %sub3A_117 = arith.subf %min3A_115, %sub3A_116 : vector<16xf32>
      %mul3A_118 = arith.constant 6.350000e+01 : f32
      %mul3A_119 = vector.broadcast %mul3A_118 : f32 to vector<16xf32>
      %mul3A_120 = arith.mulf %sub3A_117, %mul3A_119 : vector<16xf32>
      %jit3A_121 = arith.constant 0.000000e+00 : f32
      %jit3A_122 = arith.constant 1.270000e+02 : f32
      %max3A_123 = vector.broadcast %jit3A_121 : f32 to vector<16xf32>
      %max3A_124 = arith.maximumf %max3A_123, %mul3A_120 : vector<16xf32>
      %min3A_125 = vector.broadcast %jit3A_122 : f32 to vector<16xf32>
      %min3A_126 = arith.minimumf %min3A_125, %max3A_124 : vector<16xf32>
      %convert_element_type3A = arith.fptosi %min3A_126 : vector<16xf32> to vector<16xi32>
      %convert_element_type3A_127 = arith.sitofp %convert_element_type3A : vector<16xi32> to vector<16xf32>
      %sub3A_128 = arith.subf %min3A_126, %convert_element_type3A_127 : vector<16xf32>
      %add3A_129 = arith.constant 1 : i32
      %add3A_130 = vector.broadcast %add3A_129 : i32 to vector<16xi32>
      %add3A_131 = arith.addi %convert_element_type3A, %add3A_130 : vector<16xi32>
      %min3A_132 = arith.constant 127 : i32
      %min3A_133 = vector.broadcast %min3A_132 : i32 to vector<16xi32>
      %min3A_134 = arith.minsi %add3A_131, %min3A_133 : vector<16xi32>
      %mul3A_135 = arith.constant 16 : i32
      %mul3A_136 = arith.muli %scan3A_107, %mul3A_135 : i32
      %add3A_137 = vector.broadcast %mul3A_136 : i32 to vector<16xi32>
      %add3A_138 = arith.addi %add3A_137, %iota3A : vector<16xi32>
      %mul3A_139 = arith.constant 128 : i32
      %mul3A_140 = vector.broadcast %mul3A_139 : i32 to vector<16xi32>
      %mul3A_141 = arith.muli %add3A_138, %mul3A_140 : vector<16xi32>
      %add3A_142 = arith.addi %mul3A_141, %convert_element_type3A : vector<16xi32>
      %add3A_143 = arith.addi %mul3A_141, %min3A_134 : vector<16xi32>
      %sub3A_144 = arith.constant 1.000000e+00 : f32
      %sub3A_145 = vector.broadcast %sub3A_144 : f32 to vector<16xf32>
      %sub3A_146 = arith.subf %sub3A_145, %sub3A_128 : vector<16xf32>
      tpu.vector_store_idx %arg7[%add3A_142], %sub3A_146 : memref<16384xf32, #tpu.memory_space<vmem>>[vector<16xi32>], vector<16xf32>,
      tpu.vector_store_idx %arg7[%add3A_143], %sub3A_128 {add = true} : memref<16384xf32, #tpu.memory_space<vmem>>[vector<16xi32>], vector<16xf32>,
      %mul3A_147 = arith.constant 16 : i32
      %mul3A_148 = arith.muli %scan3A_107, %mul3A_147 : i32
      %swap3A = arith.index_cast %mul3A_148 : i32 to index
      %swap3A_149 = tpu.vector_load %arg11[%swap3A] {strides = array<i32>} : memref<256xi32, #tpu.memory_space<vmem>>, vector<16xi32>,
      tpu.vector_store %arg11[%swap3A], %add3A_142 {strides = array<i32>} : memref<256xi32, #tpu.memory_space<vmem>>, vector<16xi32>,
      %mul3A_150 = arith.constant 16 : i32
      %mul3A_151 = arith.muli %scan3A_107, %mul3A_150 : i32
      %add3A_152 = arith.constant 128 : i32
      %add3A_153 = arith.addi %add3A_152, %mul3A_151 : i32
      %swap3A_154 = arith.index_cast %add3A_153 : i32 to index
      %swap3A_155 = tpu.vector_load %arg11[%swap3A_154] {strides = array<i32>} : memref<256xi32, #tpu.memory_space<vmem>>, vector<16xi32>,
      tpu.vector_store %arg11[%swap3A_154], %add3A_143 {strides = array<i32>} : memref<256xi32, #tpu.memory_space<vmem>>, vector<16xi32>,
    }
    %scan3A_52 = arith.constant 8 : i32
    %add3A_53 = arith.constant 256 : i32
    %add3A_54 = arith.addi %mul3A_2, %add3A_53 : i32
    %mul3A_55 = arith.constant 128 : i32
    %mul3A_56 = arith.muli %add3A_54, %mul3A_55 : i32
    %dma_start3A_57 = tpu.memref_slice %arg3[%mul3A_56] : memref<16777216xf32, #tpu.memory_space<hbm>> -> memref<16384xf32, #tpu.memory_space<hbm>>
    %dma_start3A_58 = tpu.memref_slice %arg3[%mul3A_56] : memref<16777216xf32, #tpu.memory_space<hbm>> -> memref<16384xf32, #tpu.memory_space<hbm>>
    tpu.enqueue_dma source(%arg7 : memref<16384xf32, #tpu.memory_space<vmem>>) target(%dma_start3A_58 : memref<16384xf32, #tpu.memory_space<hbm>>) target_semaphore(%arg15 : memref<!tpu.dma_semaphore, #tpu.memory_space<semaphore_mem>>)
    %scan3A_59 = arith.constant 0 : i32
    %scan3A_60 = arith.constant 0 : i32
    %scan3A_61 = arith.constant 128 : i32
    %scan3A_62 = arith.addi %scan3A_60, %scan3A_61 : i32
    %scan3A_63 = arith.constant 1 : i32
    scf.for %scan3A_107 = %scan3A_60 to %scan3A_62 step %scan3A_63  : i32 {
      %mul3A_108 = arith.constant 128 : i32
      %mul3A_109 = arith.muli %scan3A_107, %mul3A_108 : i32
      %add3A_110 = arith.constant 0 : i32
      %add3A_111 = arith.addi %mul3A_109, %add3A_110 : i32
      %swap3A = arith.index_cast %add3A_111 : i32 to index
      %swap3A_112 = tpu.vector_load %arg8[%swap3A] {strides = array<i32>} : memref<16384xf32, #tpu.memory_space<vmem>>, vector<16xf32>,
      tpu.vector_store %arg8[%swap3A], %broadcast_in_dim3A_4 {strides = array<i32>} : memref<16384xf32, #tpu.memory_space<vmem>>, vector<16xf32>,
      %add3A_113 = arith.constant 16 : i32
      %add3A_114 = arith.addi %mul3A_109, %add3A_113 : i32
      %swap3A_115 = arith.index_cast %add3A_114 : i32 to index
      %swap3A_116 = tpu.vector_load %arg8[%swap3A_115] {strides = array<i32>} : memref<16384xf32, #tpu.memory_space<vmem>>, vector<16xf32>,
      tpu.vector_store %arg8[%swap3A_115], %broadcast_in_dim3A_4 {strides = array<i32>} : memref<16384xf32, #tpu.memory_space<vmem>>, vector<16xf32>,
      %add3A_117 = arith.constant 32 : i32
      %add3A_118 = arith.addi %mul3A_109, %add3A_117 : i32
      %swap3A_119 = arith.index_cast %add3A_118 : i32 to index
      %swap3A_120 = tpu.vector_load %arg8[%swap3A_119] {strides = array<i32>} : memref<16384xf32, #tpu.memory_space<vmem>>, vector<16xf32>,
      tpu.vector_store %arg8[%swap3A_119], %broadcast_in_dim3A_4 {strides = array<i32>} : memref<16384xf32, #tpu.memory_space<vmem>>, vector<16xf32>,
      %add3A_121 = arith.constant 48 : i32
      %add3A_122 = arith.addi %mul3A_109, %add3A_121 : i32
      %swap3A_123 = arith.index_cast %add3A_122 : i32 to index
      %swap3A_124 = tpu.vector_load %arg8[%swap3A_123] {strides = array<i32>} : memref<16384xf32, #tpu.memory_space<vmem>>, vector<16xf32>,
      tpu.vector_store %arg8[%swap3A_123], %broadcast_in_dim3A_4 {strides = array<i32>} : memref<16384xf32, #tpu.memory_space<vmem>>, vector<16xf32>,
      %add3A_125 = arith.constant 64 : i32
      %add3A_126 = arith.addi %mul3A_109, %add3A_125 : i32
      %swap3A_127 = arith.index_cast %add3A_126 : i32 to index
      %swap3A_128 = tpu.vector_load %arg8[%swap3A_127] {strides = array<i32>} : memref<16384xf32, #tpu.memory_space<vmem>>, vector<16xf32>,
      tpu.vector_store %arg8[%swap3A_127], %broadcast_in_dim3A_4 {strides = array<i32>} : memref<16384xf32, #tpu.memory_space<vmem>>, vector<16xf32>,
      %add3A_129 = arith.constant 80 : i32
      %add3A_130 = arith.addi %mul3A_109, %add3A_129 : i32
      %swap3A_131 = arith.index_cast %add3A_130 : i32 to index
      %swap3A_132 = tpu.vector_load %arg8[%swap3A_131] {strides = array<i32>} : memref<16384xf32, #tpu.memory_space<vmem>>, vector<16xf32>,
      tpu.vector_store %arg8[%swap3A_131], %broadcast_in_dim3A_4 {strides = array<i32>} : memref<16384xf32, #tpu.memory_space<vmem>>, vector<16xf32>,
      %add3A_133 = arith.constant 96 : i32
      %add3A_134 = arith.addi %mul3A_109, %add3A_133 : i32
      %swap3A_135 = arith.index_cast %add3A_134 : i32 to index
      %swap3A_136 = tpu.vector_load %arg8[%swap3A_135] {strides = array<i32>} : memref<16384xf32, #tpu.memory_space<vmem>>, vector<16xf32>,
      tpu.vector_store %arg8[%swap3A_135], %broadcast_in_dim3A_4 {strides = array<i32>} : memref<16384xf32, #tpu.memory_space<vmem>>, vector<16xf32>,
      %add3A_137 = arith.constant 112 : i32
      %add3A_138 = arith.addi %mul3A_109, %add3A_137 : i32
      %swap3A_139 = arith.index_cast %add3A_138 : i32 to index
      %swap3A_140 = tpu.vector_load %arg8[%swap3A_139] {strides = array<i32>} : memref<16384xf32, #tpu.memory_space<vmem>>, vector<16xf32>,
      tpu.vector_store %arg8[%swap3A_139], %broadcast_in_dim3A_4 {strides = array<i32>} : memref<16384xf32, #tpu.memory_space<vmem>>, vector<16xf32>,
    }
    %scan3A_64 = arith.constant 128 : i32
    %scan3A_65 = arith.constant 0 : i32
    %scan3A_66 = arith.constant 0 : i32
    %scan3A_67 = arith.constant 8 : i32
    %scan3A_68 = arith.addi %scan3A_66, %scan3A_67 : i32
    %scan3A_69 = arith.constant 1 : i32
    scf.for %scan3A_107 = %scan3A_66 to %scan3A_68 step %scan3A_69  : i32 {
      %mul3A_108 = arith.constant 16 : i32
      %mul3A_109 = arith.muli %scan3A_107, %mul3A_108 : i32
      %add3A_110 = arith.constant 384 : i32
      %add3A_111 = arith.addi %add3A_110, %mul3A_109 : i32
      %get3A = arith.index_cast %add3A_111 : i32 to index
      %get3A_112 = tpu.vector_load %arg4[%get3A] {strides = array<i32>} : memref<4096xf32, #tpu.memory_space<vmem>>, vector<16xf32>,
      %jit3A = arith.constant -1.000000e+00 : f32
      %jit3A_113 = arith.constant 1.000000e+00 : f32
      %max3A = vector.broadcast %jit3A : f32 to vector<16xf32>
      %max3A_114 = arith.maximumf %max3A, %get3A_112 : vector<16xf32>
      %min3A = vector.broadcast %jit3A_113 : f32 to vector<16xf32>
      %min3A_115 = arith.minimumf %min3A, %max3A_114 : vector<16xf32>
      %sub3A = arith.constant -1.000000e+00 : f32
      %sub3A_116 = vector.broadcast %sub3A : f32 to vector<16xf32>
      %sub3A_117 = arith.subf %min3A_115, %sub3A_116 : vector<16xf32>
      %mul3A_118 = arith.constant 6.350000e+01 : f32
      %mul3A_119 = vector.broadcast %mul3A_118 : f32 to vector<16xf32>
      %mul3A_120 = arith.mulf %sub3A_117, %mul3A_119 : vector<16xf32>
      %jit3A_121 = arith.constant 0.000000e+00 : f32
      %jit3A_122 = arith.constant 1.270000e+02 : f32
      %max3A_123 = vector.broadcast %jit3A_121 : f32 to vector<16xf32>
      %max3A_124 = arith.maximumf %max3A_123, %mul3A_120 : vector<16xf32>
      %min3A_125 = vector.broadcast %jit3A_122 : f32 to vector<16xf32>
      %min3A_126 = arith.minimumf %min3A_125, %max3A_124 : vector<16xf32>
      %convert_element_type3A = arith.fptosi %min3A_126 : vector<16xf32> to vector<16xi32>
      %convert_element_type3A_127 = arith.sitofp %convert_element_type3A : vector<16xi32> to vector<16xf32>
      %sub3A_128 = arith.subf %min3A_126, %convert_element_type3A_127 : vector<16xf32>
      %add3A_129 = arith.constant 1 : i32
      %add3A_130 = vector.broadcast %add3A_129 : i32 to vector<16xi32>
      %add3A_131 = arith.addi %convert_element_type3A, %add3A_130 : vector<16xi32>
      %min3A_132 = arith.constant 127 : i32
      %min3A_133 = vector.broadcast %min3A_132 : i32 to vector<16xi32>
      %min3A_134 = arith.minsi %add3A_131, %min3A_133 : vector<16xi32>
      %mul3A_135 = arith.constant 16 : i32
      %mul3A_136 = arith.muli %scan3A_107, %mul3A_135 : i32
      %add3A_137 = vector.broadcast %mul3A_136 : i32 to vector<16xi32>
      %add3A_138 = arith.addi %add3A_137, %iota3A : vector<16xi32>
      %mul3A_139 = arith.constant 128 : i32
      %mul3A_140 = vector.broadcast %mul3A_139 : i32 to vector<16xi32>
      %mul3A_141 = arith.muli %add3A_138, %mul3A_140 : vector<16xi32>
      %add3A_142 = arith.addi %mul3A_141, %convert_element_type3A : vector<16xi32>
      %add3A_143 = arith.addi %mul3A_141, %min3A_134 : vector<16xi32>
      %sub3A_144 = arith.constant 1.000000e+00 : f32
      %sub3A_145 = vector.broadcast %sub3A_144 : f32 to vector<16xf32>
      %sub3A_146 = arith.subf %sub3A_145, %sub3A_128 : vector<16xf32>
      tpu.vector_store_idx %arg8[%add3A_142], %sub3A_146 : memref<16384xf32, #tpu.memory_space<vmem>>[vector<16xi32>], vector<16xf32>,
      tpu.vector_store_idx %arg8[%add3A_143], %sub3A_128 {add = true} : memref<16384xf32, #tpu.memory_space<vmem>>[vector<16xi32>], vector<16xf32>,
      %mul3A_147 = arith.constant 16 : i32
      %mul3A_148 = arith.muli %scan3A_107, %mul3A_147 : i32
      %swap3A = arith.index_cast %mul3A_148 : i32 to index
      %swap3A_149 = tpu.vector_load %arg12[%swap3A] {strides = array<i32>} : memref<256xi32, #tpu.memory_space<vmem>>, vector<16xi32>,
      tpu.vector_store %arg12[%swap3A], %add3A_142 {strides = array<i32>} : memref<256xi32, #tpu.memory_space<vmem>>, vector<16xi32>,
      %mul3A_150 = arith.constant 16 : i32
      %mul3A_151 = arith.muli %scan3A_107, %mul3A_150 : i32
      %add3A_152 = arith.constant 128 : i32
      %add3A_153 = arith.addi %add3A_152, %mul3A_151 : i32
      %swap3A_154 = arith.index_cast %add3A_153 : i32 to index
      %swap3A_155 = tpu.vector_load %arg12[%swap3A_154] {strides = array<i32>} : memref<256xi32, #tpu.memory_space<vmem>>, vector<16xi32>,
      tpu.vector_store %arg12[%swap3A_154], %add3A_143 {strides = array<i32>} : memref<256xi32, #tpu.memory_space<vmem>>, vector<16xi32>,
    }
    %scan3A_70 = arith.constant 8 : i32
    %add3A_71 = arith.constant 384 : i32
    %add3A_72 = arith.addi %mul3A_2, %add3A_71 : i32
    %mul3A_73 = arith.constant 128 : i32
    %mul3A_74 = arith.muli %add3A_72, %mul3A_73 : i32
    %dma_start3A_75 = tpu.memref_slice %arg3[%mul3A_74] : memref<16777216xf32, #tpu.memory_space<hbm>> -> memref<16384xf32, #tpu.memory_space<hbm>>
    %dma_start3A_76 = tpu.memref_slice %arg3[%mul3A_74] : memref<16777216xf32, #tpu.memory_space<hbm>> -> memref<16384xf32, #tpu.memory_space<hbm>>
    tpu.enqueue_dma source(%arg8 : memref<16384xf32, #tpu.memory_space<vmem>>) target(%dma_start3A_76 : memref<16384xf32, #tpu.memory_space<hbm>>) target_semaphore(%arg16 : memref<!tpu.dma_semaphore, #tpu.memory_space<semaphore_mem>>)
    %scan3A_77 = arith.constant 0 : i32
    %scan3A_78 = arith.constant 1 : i32
    %scan3A_79 = arith.constant 7 : i32
    %scan3A_80 = arith.addi %scan3A_78, %scan3A_79 : i32
    %scan3A_81 = arith.constant 1 : i32
    scf.for %scan3A_107 = %scan3A_78 to %scan3A_80 step %scan3A_81  : i32 {
      %mul3A_108 = arith.constant 4 : i32
      %mul3A_109 = arith.muli %mul3A_108, %scan3A_107 : i32
      %add3A_110 = arith.constant 0 : i32
      %add3A_111 = arith.addi %mul3A_109, %add3A_110 : i32
      %sub3A = arith.constant 4 : i32
      %sub3A_112 = arith.subi %add3A_111, %sub3A : i32
      %mul3A_113 = arith.constant 128 : i32
      %mul3A_114 = arith.muli %sub3A_112, %mul3A_113 : i32
      %add3A_115 = arith.addi %mul3A_2, %mul3A_114 : i32
      %mul3A_116 = arith.constant 128 : i32
      %mul3A_117 = arith.muli %add3A_115, %mul3A_116 : i32
      %dma_wait3A_118 = tpu.memref_slice %arg3[%mul3A_117] : memref<16777216xf32, #tpu.memory_space<hbm>> -> memref<16384xf32, #tpu.memory_space<hbm>>
      %dma_wait3A_119 = tpu.memref_slice %arg3[%mul3A_117] : memref<16777216xf32, #tpu.memory_space<hbm>> -> memref<16384xf32, #tpu.memory_space<hbm>>
      tpu.wait_dma2 semaphore(%arg13 : memref<!tpu.dma_semaphore, #tpu.memory_space<semaphore_mem>>) src(%arg5 : memref<16384xf32, #tpu.memory_space<vmem>>) dst(%dma_wait3A_119 : memref<16384xf32, #tpu.memory_space<hbm>>)
      %scan3A_120 = arith.constant 0 : i32
      %scan3A_121 = arith.constant 0 : i32
      %scan3A_122 = arith.constant 8 : i32
      %scan3A_123 = arith.addi %scan3A_121, %scan3A_122 : i32
      %scan3A_124 = arith.constant 1 : i32
      scf.for %scan3A_235 = %scan3A_121 to %scan3A_123 step %scan3A_124  : i32 {
        %mul3A_236 = arith.constant 16 : i32
        %mul3A_237 = arith.muli %scan3A_235, %mul3A_236 : i32
        %get3A = arith.index_cast %mul3A_237 : i32 to index
        %get3A_238 = tpu.vector_load %arg9[%get3A] {strides = array<i32>} : memref<256xi32, #tpu.memory_space<vmem>>, vector<16xi32>,
        tpu.vector_store_idx %arg5[%get3A_238], %broadcast_in_dim3A_4 : memref<16384xf32, #tpu.memory_space<vmem>>[vector<16xi32>], vector<16xf32>,
        %mul3A_239 = arith.constant 16 : i32
        %mul3A_240 = arith.muli %scan3A_235, %mul3A_239 : i32
        %add3A_241 = arith.constant 128 : i32
        %add3A_242 = arith.addi %add3A_241, %mul3A_240 : i32
        %get3A_243 = arith.index_cast %add3A_242 : i32 to index
        %get3A_244 = tpu.vector_load %arg9[%get3A_243] {strides = array<i32>} : memref<256xi32, #tpu.memory_space<vmem>>, vector<16xi32>,
        tpu.vector_store_idx %arg5[%get3A_244], %broadcast_in_dim3A_4 : memref<16384xf32, #tpu.memory_space<vmem>>[vector<16xi32>], vector<16xf32>,
      }
      %scan3A_125 = arith.constant 8 : i32
      %scan3A_126 = arith.constant 0 : i32
      %scan3A_127 = arith.constant 0 : i32
      %scan3A_128 = arith.constant 8 : i32
      %scan3A_129 = arith.addi %scan3A_127, %scan3A_128 : i32
      %scan3A_130 = arith.constant 1 : i32
      scf.for %scan3A_235 = %scan3A_127 to %scan3A_129 step %scan3A_130  : i32 {
        %mul3A_236 = arith.constant 128 : i32
        %mul3A_237 = arith.muli %add3A_111, %mul3A_236 : i32
        %mul3A_238 = arith.constant 16 : i32
        %mul3A_239 = arith.muli %scan3A_235, %mul3A_238 : i32
        %add3A_240 = arith.addi %mul3A_237, %mul3A_239 : i32
        %get3A = arith.index_cast %add3A_240 : i32 to index
        %get3A_241 = tpu.vector_load %arg4[%get3A] {strides = array<i32>} : memref<4096xf32, #tpu.memory_space<vmem>>, vector<16xf32>,
        %jit3A = arith.constant -1.000000e+00 : f32
        %jit3A_242 = arith.constant 1.000000e+00 : f32
        %max3A = vector.broadcast %jit3A : f32 to vector<16xf32>
        %max3A_243 = arith.maximumf %max3A, %get3A_241 : vector<16xf32>
        %min3A = vector.broadcast %jit3A_242 : f32 to vector<16xf32>
        %min3A_244 = arith.minimumf %min3A, %max3A_243 : vector<16xf32>
        %sub3A_245 = arith.constant -1.000000e+00 : f32
        %sub3A_246 = vector.broadcast %sub3A_245 : f32 to vector<16xf32>
        %sub3A_247 = arith.subf %min3A_244, %sub3A_246 : vector<16xf32>
        %mul3A_248 = arith.constant 6.350000e+01 : f32
        %mul3A_249 = vector.broadcast %mul3A_248 : f32 to vector<16xf32>
        %mul3A_250 = arith.mulf %sub3A_247, %mul3A_249 : vector<16xf32>
        %jit3A_251 = arith.constant 0.000000e+00 : f32
        %jit3A_252 = arith.constant 1.270000e+02 : f32
        %max3A_253 = vector.broadcast %jit3A_251 : f32 to vector<16xf32>
        %max3A_254 = arith.maximumf %max3A_253, %mul3A_250 : vector<16xf32>
        %min3A_255 = vector.broadcast %jit3A_252 : f32 to vector<16xf32>
        %min3A_256 = arith.minimumf %min3A_255, %max3A_254 : vector<16xf32>
        %convert_element_type3A = arith.fptosi %min3A_256 : vector<16xf32> to vector<16xi32>
        %convert_element_type3A_257 = arith.sitofp %convert_element_type3A : vector<16xi32> to vector<16xf32>
        %sub3A_258 = arith.subf %min3A_256, %convert_element_type3A_257 : vector<16xf32>
        %add3A_259 = arith.constant 1 : i32
        %add3A_260 = vector.broadcast %add3A_259 : i32 to vector<16xi32>
        %add3A_261 = arith.addi %convert_element_type3A, %add3A_260 : vector<16xi32>
        %min3A_262 = arith.constant 127 : i32
        %min3A_263 = vector.broadcast %min3A_262 : i32 to vector<16xi32>
        %min3A_264 = arith.minsi %add3A_261, %min3A_263 : vector<16xi32>
        %mul3A_265 = arith.constant 16 : i32
        %mul3A_266 = arith.muli %scan3A_235, %mul3A_265 : i32
        %add3A_267 = vector.broadcast %mul3A_266 : i32 to vector<16xi32>
        %add3A_268 = arith.addi %add3A_267, %iota3A : vector<16xi32>
        %mul3A_269 = arith.constant 128 : i32
        %mul3A_270 = vector.broadcast %mul3A_269 : i32 to vector<16xi32>
        %mul3A_271 = arith.muli %add3A_268, %mul3A_270 : vector<16xi32>
        %add3A_272 = arith.addi %mul3A_271, %convert_element_type3A : vector<16xi32>
        %add3A_273 = arith.addi %mul3A_271, %min3A_264 : vector<16xi32>
        %sub3A_274 = arith.constant 1.000000e+00 : f32
        %sub3A_275 = vector.broadcast %sub3A_274 : f32 to vector<16xf32>
        %sub3A_276 = arith.subf %sub3A_275, %sub3A_258 : vector<16xf32>
        tpu.vector_store_idx %arg5[%add3A_272], %sub3A_276 : memref<16384xf32, #tpu.memory_space<vmem>>[vector<16xi32>], vector<16xf32>,
        tpu.vector_store_idx %arg5[%add3A_273], %sub3A_258 {add = true} : memref<16384xf32, #tpu.memory_space<vmem>>[vector<16xi32>], vector<16xf32>,
        %mul3A_277 = arith.constant 16 : i32
        %mul3A_278 = arith.muli %scan3A_235, %mul3A_277 : i32
        %swap3A = arith.index_cast %mul3A_278 : i32 to index
        %swap3A_279 = tpu.vector_load %arg9[%swap3A] {strides = array<i32>} : memref<256xi32, #tpu.memory_space<vmem>>, vector<16xi32>,
        tpu.vector_store %arg9[%swap3A], %add3A_272 {strides = array<i32>} : memref<256xi32, #tpu.memory_space<vmem>>, vector<16xi32>,
        %mul3A_280 = arith.constant 16 : i32
        %mul3A_281 = arith.muli %scan3A_235, %mul3A_280 : i32
        %add3A_282 = arith.constant 128 : i32
        %add3A_283 = arith.addi %add3A_282, %mul3A_281 : i32
        %swap3A_284 = arith.index_cast %add3A_283 : i32 to index
        %swap3A_285 = tpu.vector_load %arg9[%swap3A_284] {strides = array<i32>} : memref<256xi32, #tpu.memory_space<vmem>>, vector<16xi32>,
        tpu.vector_store %arg9[%swap3A_284], %add3A_273 {strides = array<i32>} : memref<256xi32, #tpu.memory_space<vmem>>, vector<16xi32>,
      }
      %scan3A_131 = arith.constant 8 : i32
      %mul3A_132 = arith.constant 128 : i32
      %mul3A_133 = arith.muli %add3A_111, %mul3A_132 : i32
      %add3A_134 = arith.addi %mul3A_2, %mul3A_133 : i32
      %mul3A_135 = arith.constant 128 : i32
      %mul3A_136 = arith.muli %add3A_134, %mul3A_135 : i32
      %dma_start3A_137 = tpu.memref_slice %arg3[%mul3A_136] : memref<16777216xf32, #tpu.memory_space<hbm>> -> memref<16384xf32, #tpu.memory_space<hbm>>
      %dma_start3A_138 = tpu.memref_slice %arg3[%mul3A_136] : memref<16777216xf32, #tpu.memory_space<hbm>> -> memref<16384xf32, #tpu.memory_space<hbm>>
      tpu.enqueue_dma source(%arg5 : memref<16384xf32, #tpu.memory_space<vmem>>) target(%dma_start3A_138 : memref<16384xf32, #tpu.memory_space<hbm>>) target_semaphore(%arg13 : memref<!tpu.dma_semaphore, #tpu.memory_space<semaphore_mem>>)
      %mul3A_139 = arith.constant 4 : i32
      %mul3A_140 = arith.muli %mul3A_139, %scan3A_107 : i32
      %add3A_141 = arith.constant 1 : i32
      %add3A_142 = arith.addi %mul3A_140, %add3A_141 : i32
      %sub3A_143 = arith.constant 4 : i32
      %sub3A_144 = arith.subi %add3A_142, %sub3A_143 : i32
      %mul3A_145 = arith.constant 128 : i32
      %mul3A_146 = arith.muli %sub3A_144, %mul3A_145 : i32
      %add3A_147 = arith.addi %mul3A_2, %mul3A_146 : i32
      %mul3A_148 = arith.constant 128 : i32
      %mul3A_149 = arith.muli %add3A_147, %mul3A_148 : i32
      %dma_wait3A_150 = tpu.memref_slice %arg3[%mul3A_149] : memref<16777216xf32, #tpu.memory_space<hbm>> -> memref<16384xf32, #tpu.memory_space<hbm>>
      %dma_wait3A_151 = tpu.memref_slice %arg3[%mul3A_149] : memref<16777216xf32, #tpu.memory_space<hbm>> -> memref<16384xf32, #tpu.memory_space<hbm>>
      tpu.wait_dma2 semaphore(%arg14 : memref<!tpu.dma_semaphore, #tpu.memory_space<semaphore_mem>>) src(%arg6 : memref<16384xf32, #tpu.memory_space<vmem>>) dst(%dma_wait3A_151 : memref<16384xf32, #tpu.memory_space<hbm>>)
      %scan3A_152 = arith.constant 0 : i32
      %scan3A_153 = arith.constant 0 : i32
      %scan3A_154 = arith.constant 8 : i32
      %scan3A_155 = arith.addi %scan3A_153, %scan3A_154 : i32
      %scan3A_156 = arith.constant 1 : i32
      scf.for %scan3A_235 = %scan3A_153 to %scan3A_155 step %scan3A_156  : i32 {
        %mul3A_236 = arith.constant 16 : i32
        %mul3A_237 = arith.muli %scan3A_235, %mul3A_236 : i32
        %get3A = arith.index_cast %mul3A_237 : i32 to index
        %get3A_238 = tpu.vector_load %arg10[%get3A] {strides = array<i32>} : memref<256xi32, #tpu.memory_space<vmem>>, vector<16xi32>,
        tpu.vector_store_idx %arg6[%get3A_238], %broadcast_in_dim3A_4 : memref<16384xf32, #tpu.memory_space<vmem>>[vector<16xi32>], vector<16xf32>,
        %mul3A_239 = arith.constant 16 : i32
        %mul3A_240 = arith.muli %scan3A_235, %mul3A_239 : i32
        %add3A_241 = arith.constant 128 : i32
        %add3A_242 = arith.addi %add3A_241, %mul3A_240 : i32
        %get3A_243 = arith.index_cast %add3A_242 : i32 to index
        %get3A_244 = tpu.vector_load %arg10[%get3A_243] {strides = array<i32>} : memref<256xi32, #tpu.memory_space<vmem>>, vector<16xi32>,
        tpu.vector_store_idx %arg6[%get3A_244], %broadcast_in_dim3A_4 : memref<16384xf32, #tpu.memory_space<vmem>>[vector<16xi32>], vector<16xf32>,
      }
      %scan3A_157 = arith.constant 8 : i32
      %scan3A_158 = arith.constant 0 : i32
      %scan3A_159 = arith.constant 0 : i32
      %scan3A_160 = arith.constant 8 : i32
      %scan3A_161 = arith.addi %scan3A_159, %scan3A_160 : i32
      %scan3A_162 = arith.constant 1 : i32
      scf.for %scan3A_235 = %scan3A_159 to %scan3A_161 step %scan3A_162  : i32 {
        %mul3A_236 = arith.constant 128 : i32
        %mul3A_237 = arith.muli %add3A_142, %mul3A_236 : i32
        %mul3A_238 = arith.constant 16 : i32
        %mul3A_239 = arith.muli %scan3A_235, %mul3A_238 : i32
        %add3A_240 = arith.addi %mul3A_237, %mul3A_239 : i32
        %get3A = arith.index_cast %add3A_240 : i32 to index
        %get3A_241 = tpu.vector_load %arg4[%get3A] {strides = array<i32>} : memref<4096xf32, #tpu.memory_space<vmem>>, vector<16xf32>,
        %jit3A = arith.constant -1.000000e+00 : f32
        %jit3A_242 = arith.constant 1.000000e+00 : f32
        %max3A = vector.broadcast %jit3A : f32 to vector<16xf32>
        %max3A_243 = arith.maximumf %max3A, %get3A_241 : vector<16xf32>
        %min3A = vector.broadcast %jit3A_242 : f32 to vector<16xf32>
        %min3A_244 = arith.minimumf %min3A, %max3A_243 : vector<16xf32>
        %sub3A_245 = arith.constant -1.000000e+00 : f32
        %sub3A_246 = vector.broadcast %sub3A_245 : f32 to vector<16xf32>
        %sub3A_247 = arith.subf %min3A_244, %sub3A_246 : vector<16xf32>
        %mul3A_248 = arith.constant 6.350000e+01 : f32
        %mul3A_249 = vector.broadcast %mul3A_248 : f32 to vector<16xf32>
        %mul3A_250 = arith.mulf %sub3A_247, %mul3A_249 : vector<16xf32>
        %jit3A_251 = arith.constant 0.000000e+00 : f32
        %jit3A_252 = arith.constant 1.270000e+02 : f32
        %max3A_253 = vector.broadcast %jit3A_251 : f32 to vector<16xf32>
        %max3A_254 = arith.maximumf %max3A_253, %mul3A_250 : vector<16xf32>
        %min3A_255 = vector.broadcast %jit3A_252 : f32 to vector<16xf32>
        %min3A_256 = arith.minimumf %min3A_255, %max3A_254 : vector<16xf32>
        %convert_element_type3A = arith.fptosi %min3A_256 : vector<16xf32> to vector<16xi32>
        %convert_element_type3A_257 = arith.sitofp %convert_element_type3A : vector<16xi32> to vector<16xf32>
        %sub3A_258 = arith.subf %min3A_256, %convert_element_type3A_257 : vector<16xf32>
        %add3A_259 = arith.constant 1 : i32
        %add3A_260 = vector.broadcast %add3A_259 : i32 to vector<16xi32>
        %add3A_261 = arith.addi %convert_element_type3A, %add3A_260 : vector<16xi32>
        %min3A_262 = arith.constant 127 : i32
        %min3A_263 = vector.broadcast %min3A_262 : i32 to vector<16xi32>
        %min3A_264 = arith.minsi %add3A_261, %min3A_263 : vector<16xi32>
        %mul3A_265 = arith.constant 16 : i32
        %mul3A_266 = arith.muli %scan3A_235, %mul3A_265 : i32
        %add3A_267 = vector.broadcast %mul3A_266 : i32 to vector<16xi32>
        %add3A_268 = arith.addi %add3A_267, %iota3A : vector<16xi32>
        %mul3A_269 = arith.constant 128 : i32
        %mul3A_270 = vector.broadcast %mul3A_269 : i32 to vector<16xi32>
        %mul3A_271 = arith.muli %add3A_268, %mul3A_270 : vector<16xi32>
        %add3A_272 = arith.addi %mul3A_271, %convert_element_type3A : vector<16xi32>
        %add3A_273 = arith.addi %mul3A_271, %min3A_264 : vector<16xi32>
        %sub3A_274 = arith.constant 1.000000e+00 : f32
        %sub3A_275 = vector.broadcast %sub3A_274 : f32 to vector<16xf32>
        %sub3A_276 = arith.subf %sub3A_275, %sub3A_258 : vector<16xf32>
        tpu.vector_store_idx %arg6[%add3A_272], %sub3A_276 : memref<16384xf32, #tpu.memory_space<vmem>>[vector<16xi32>], vector<16xf32>,
        tpu.vector_store_idx %arg6[%add3A_273], %sub3A_258 {add = true} : memref<16384xf32, #tpu.memory_space<vmem>>[vector<16xi32>], vector<16xf32>,
        %mul3A_277 = arith.constant 16 : i32
        %mul3A_278 = arith.muli %scan3A_235, %mul3A_277 : i32
        %swap3A = arith.index_cast %mul3A_278 : i32 to index
        %swap3A_279 = tpu.vector_load %arg10[%swap3A] {strides = array<i32>} : memref<256xi32, #tpu.memory_space<vmem>>, vector<16xi32>,
        tpu.vector_store %arg10[%swap3A], %add3A_272 {strides = array<i32>} : memref<256xi32, #tpu.memory_space<vmem>>, vector<16xi32>,
        %mul3A_280 = arith.constant 16 : i32
        %mul3A_281 = arith.muli %scan3A_235, %mul3A_280 : i32
        %add3A_282 = arith.constant 128 : i32
        %add3A_283 = arith.addi %add3A_282, %mul3A_281 : i32
        %swap3A_284 = arith.index_cast %add3A_283 : i32 to index
        %swap3A_285 = tpu.vector_load %arg10[%swap3A_284] {strides = array<i32>} : memref<256xi32, #tpu.memory_space<vmem>>, vector<16xi32>,
        tpu.vector_store %arg10[%swap3A_284], %add3A_273 {strides = array<i32>} : memref<256xi32, #tpu.memory_space<vmem>>, vector<16xi32>,
      }
      %scan3A_163 = arith.constant 8 : i32
      %mul3A_164 = arith.constant 128 : i32
      %mul3A_165 = arith.muli %add3A_142, %mul3A_164 : i32
      %add3A_166 = arith.addi %mul3A_2, %mul3A_165 : i32
      %mul3A_167 = arith.constant 128 : i32
      %mul3A_168 = arith.muli %add3A_166, %mul3A_167 : i32
      %dma_start3A_169 = tpu.memref_slice %arg3[%mul3A_168] : memref<16777216xf32, #tpu.memory_space<hbm>> -> memref<16384xf32, #tpu.memory_space<hbm>>
      %dma_start3A_170 = tpu.memref_slice %arg3[%mul3A_168] : memref<16777216xf32, #tpu.memory_space<hbm>> -> memref<16384xf32, #tpu.memory_space<hbm>>
      tpu.enqueue_dma source(%arg6 : memref<16384xf32, #tpu.memory_space<vmem>>) target(%dma_start3A_170 : memref<16384xf32, #tpu.memory_space<hbm>>) target_semaphore(%arg14 : memref<!tpu.dma_semaphore, #tpu.memory_space<semaphore_mem>>)
      %mul3A_171 = arith.constant 4 : i32
      %mul3A_172 = arith.muli %mul3A_171, %scan3A_107 : i32
      %add3A_173 = arith.constant 2 : i32
      %add3A_174 = arith.addi %mul3A_172, %add3A_173 : i32
      %sub3A_175 = arith.constant 4 : i32
      %sub3A_176 = arith.subi %add3A_174, %sub3A_175 : i32
      %mul3A_177 = arith.constant 128 : i32
      %mul3A_178 = arith.muli %sub3A_176, %mul3A_177 : i32
      %add3A_179 = arith.addi %mul3A_2, %mul3A_178 : i32
      %mul3A_180 = arith.constant 128 : i32
      %mul3A_181 = arith.muli %add3A_179, %mul3A_180 : i32
      %dma_wait3A_182 = tpu.memref_slice %arg3[%mul3A_181] : memref<16777216xf32, #tpu.memory_space<hbm>> -> memref<16384xf32, #tpu.memory_space<hbm>>
      %dma_wait3A_183 = tpu.memref_slice %arg3[%mul3A_181] : memref<16777216xf32, #tpu.memory_space<hbm>> -> memref<16384xf32, #tpu.memory_space<hbm>>
      tpu.wait_dma2 semaphore(%arg15 : memref<!tpu.dma_semaphore, #tpu.memory_space<semaphore_mem>>) src(%arg7 : memref<16384xf32, #tpu.memory_space<vmem>>) dst(%dma_wait3A_183 : memref<16384xf32, #tpu.memory_space<hbm>>)
      %scan3A_184 = arith.constant 0 : i32
      %scan3A_185 = arith.constant 0 : i32
      %scan3A_186 = arith.constant 8 : i32
      %scan3A_187 = arith.addi %scan3A_185, %scan3A_186 : i32
      %scan3A_188 = arith.constant 1 : i32
      scf.for %scan3A_235 = %scan3A_185 to %scan3A_187 step %scan3A_188  : i32 {
        %mul3A_236 = arith.constant 16 : i32
        %mul3A_237 = arith.muli %scan3A_235, %mul3A_236 : i32
        %get3A = arith.index_cast %mul3A_237 : i32 to index
        %get3A_238 = tpu.vector_load %arg11[%get3A] {strides = array<i32>} : memref<256xi32, #tpu.memory_space<vmem>>, vector<16xi32>,
        tpu.vector_store_idx %arg7[%get3A_238], %broadcast_in_dim3A_4 : memref<16384xf32, #tpu.memory_space<vmem>>[vector<16xi32>], vector<16xf32>,
        %mul3A_239 = arith.constant 16 : i32
        %mul3A_240 = arith.muli %scan3A_235, %mul3A_239 : i32
        %add3A_241 = arith.constant 128 : i32
        %add3A_242 = arith.addi %add3A_241, %mul3A_240 : i32
        %get3A_243 = arith.index_cast %add3A_242 : i32 to index
        %get3A_244 = tpu.vector_load %arg11[%get3A_243] {strides = array<i32>} : memref<256xi32, #tpu.memory_space<vmem>>, vector<16xi32>,
        tpu.vector_store_idx %arg7[%get3A_244], %broadcast_in_dim3A_4 : memref<16384xf32, #tpu.memory_space<vmem>>[vector<16xi32>], vector<16xf32>,
      }
      %scan3A_189 = arith.constant 8 : i32
      %scan3A_190 = arith.constant 0 : i32
      %scan3A_191 = arith.constant 0 : i32
      %scan3A_192 = arith.constant 8 : i32
      %scan3A_193 = arith.addi %scan3A_191, %scan3A_192 : i32
      %scan3A_194 = arith.constant 1 : i32
      scf.for %scan3A_235 = %scan3A_191 to %scan3A_193 step %scan3A_194  : i32 {
        %mul3A_236 = arith.constant 128 : i32
        %mul3A_237 = arith.muli %add3A_174, %mul3A_236 : i32
        %mul3A_238 = arith.constant 16 : i32
        %mul3A_239 = arith.muli %scan3A_235, %mul3A_238 : i32
        %add3A_240 = arith.addi %mul3A_237, %mul3A_239 : i32
        %get3A = arith.index_cast %add3A_240 : i32 to index
        %get3A_241 = tpu.vector_load %arg4[%get3A] {strides = array<i32>} : memref<4096xf32, #tpu.memory_space<vmem>>, vector<16xf32>,
        %jit3A = arith.constant -1.000000e+00 : f32
        %jit3A_242 = arith.constant 1.000000e+00 : f32
        %max3A = vector.broadcast %jit3A : f32 to vector<16xf32>
        %max3A_243 = arith.maximumf %max3A, %get3A_241 : vector<16xf32>
        %min3A = vector.broadcast %jit3A_242 : f32 to vector<16xf32>
        %min3A_244 = arith.minimumf %min3A, %max3A_243 : vector<16xf32>
        %sub3A_245 = arith.constant -1.000000e+00 : f32
        %sub3A_246 = vector.broadcast %sub3A_245 : f32 to vector<16xf32>
        %sub3A_247 = arith.subf %min3A_244, %sub3A_246 : vector<16xf32>
        %mul3A_248 = arith.constant 6.350000e+01 : f32
        %mul3A_249 = vector.broadcast %mul3A_248 : f32 to vector<16xf32>
        %mul3A_250 = arith.mulf %sub3A_247, %mul3A_249 : vector<16xf32>
        %jit3A_251 = arith.constant 0.000000e+00 : f32
        %jit3A_252 = arith.constant 1.270000e+02 : f32
        %max3A_253 = vector.broadcast %jit3A_251 : f32 to vector<16xf32>
        %max3A_254 = arith.maximumf %max3A_253, %mul3A_250 : vector<16xf32>
        %min3A_255 = vector.broadcast %jit3A_252 : f32 to vector<16xf32>
        %min3A_256 = arith.minimumf %min3A_255, %max3A_254 : vector<16xf32>
        %convert_element_type3A = arith.fptosi %min3A_256 : vector<16xf32> to vector<16xi32>
        %convert_element_type3A_257 = arith.sitofp %convert_element_type3A : vector<16xi32> to vector<16xf32>
        %sub3A_258 = arith.subf %min3A_256, %convert_element_type3A_257 : vector<16xf32>
        %add3A_259 = arith.constant 1 : i32
        %add3A_260 = vector.broadcast %add3A_259 : i32 to vector<16xi32>
        %add3A_261 = arith.addi %convert_element_type3A, %add3A_260 : vector<16xi32>
        %min3A_262 = arith.constant 127 : i32
        %min3A_263 = vector.broadcast %min3A_262 : i32 to vector<16xi32>
        %min3A_264 = arith.minsi %add3A_261, %min3A_263 : vector<16xi32>
        %mul3A_265 = arith.constant 16 : i32
        %mul3A_266 = arith.muli %scan3A_235, %mul3A_265 : i32
        %add3A_267 = vector.broadcast %mul3A_266 : i32 to vector<16xi32>
        %add3A_268 = arith.addi %add3A_267, %iota3A : vector<16xi32>
        %mul3A_269 = arith.constant 128 : i32
        %mul3A_270 = vector.broadcast %mul3A_269 : i32 to vector<16xi32>
        %mul3A_271 = arith.muli %add3A_268, %mul3A_270 : vector<16xi32>
        %add3A_272 = arith.addi %mul3A_271, %convert_element_type3A : vector<16xi32>
        %add3A_273 = arith.addi %mul3A_271, %min3A_264 : vector<16xi32>
        %sub3A_274 = arith.constant 1.000000e+00 : f32
        %sub3A_275 = vector.broadcast %sub3A_274 : f32 to vector<16xf32>
        %sub3A_276 = arith.subf %sub3A_275, %sub3A_258 : vector<16xf32>
        tpu.vector_store_idx %arg7[%add3A_272], %sub3A_276 : memref<16384xf32, #tpu.memory_space<vmem>>[vector<16xi32>], vector<16xf32>,
        tpu.vector_store_idx %arg7[%add3A_273], %sub3A_258 {add = true} : memref<16384xf32, #tpu.memory_space<vmem>>[vector<16xi32>], vector<16xf32>,
        %mul3A_277 = arith.constant 16 : i32
        %mul3A_278 = arith.muli %scan3A_235, %mul3A_277 : i32
        %swap3A = arith.index_cast %mul3A_278 : i32 to index
        %swap3A_279 = tpu.vector_load %arg11[%swap3A] {strides = array<i32>} : memref<256xi32, #tpu.memory_space<vmem>>, vector<16xi32>,
        tpu.vector_store %arg11[%swap3A], %add3A_272 {strides = array<i32>} : memref<256xi32, #tpu.memory_space<vmem>>, vector<16xi32>,
        %mul3A_280 = arith.constant 16 : i32
        %mul3A_281 = arith.muli %scan3A_235, %mul3A_280 : i32
        %add3A_282 = arith.constant 128 : i32
        %add3A_283 = arith.addi %add3A_282, %mul3A_281 : i32
        %swap3A_284 = arith.index_cast %add3A_283 : i32 to index
        %swap3A_285 = tpu.vector_load %arg11[%swap3A_284] {strides = array<i32>} : memref<256xi32, #tpu.memory_space<vmem>>, vector<16xi32>,
        tpu.vector_store %arg11[%swap3A_284], %add3A_273 {strides = array<i32>} : memref<256xi32, #tpu.memory_space<vmem>>, vector<16xi32>,
      }
      %scan3A_195 = arith.constant 8 : i32
      %mul3A_196 = arith.constant 128 : i32
      %mul3A_197 = arith.muli %add3A_174, %mul3A_196 : i32
      %add3A_198 = arith.addi %mul3A_2, %mul3A_197 : i32
      %mul3A_199 = arith.constant 128 : i32
      %mul3A_200 = arith.muli %add3A_198, %mul3A_199 : i32
      %dma_start3A_201 = tpu.memref_slice %arg3[%mul3A_200] : memref<16777216xf32, #tpu.memory_space<hbm>> -> memref<16384xf32, #tpu.memory_space<hbm>>
      %dma_start3A_202 = tpu.memref_slice %arg3[%mul3A_200] : memref<16777216xf32, #tpu.memory_space<hbm>> -> memref<16384xf32, #tpu.memory_space<hbm>>
      tpu.enqueue_dma source(%arg7 : memref<16384xf32, #tpu.memory_space<vmem>>) target(%dma_start3A_202 : memref<16384xf32, #tpu.memory_space<hbm>>) target_semaphore(%arg15 : memref<!tpu.dma_semaphore, #tpu.memory_space<semaphore_mem>>)
      %mul3A_203 = arith.constant 4 : i32
      %mul3A_204 = arith.muli %mul3A_203, %scan3A_107 : i32
      %add3A_205 = arith.constant 3 : i32
      %add3A_206 = arith.addi %mul3A_204, %add3A_205 : i32
      %sub3A_207 = arith.constant 4 : i32
      %sub3A_208 = arith.subi %add3A_206, %sub3A_207 : i32
      %mul3A_209 = arith.constant 128 : i32
      %mul3A_210 = arith.muli %sub3A_208, %mul3A_209 : i32
      %add3A_211 = arith.addi %mul3A_2, %mul3A_210 : i32
      %mul3A_212 = arith.constant 128 : i32
      %mul3A_213 = arith.muli %add3A_211, %mul3A_212 : i32
      %dma_wait3A_214 = tpu.memref_slice %arg3[%mul3A_213] : memref<16777216xf32, #tpu.memory_space<hbm>> -> memref<16384xf32, #tpu.memory_space<hbm>>
      %dma_wait3A_215 = tpu.memref_slice %arg3[%mul3A_213] : memref<16777216xf32, #tpu.memory_space<hbm>> -> memref<16384xf32, #tpu.memory_space<hbm>>
      tpu.wait_dma2 semaphore(%arg16 : memref<!tpu.dma_semaphore, #tpu.memory_space<semaphore_mem>>) src(%arg8 : memref<16384xf32, #tpu.memory_space<vmem>>) dst(%dma_wait3A_215 : memref<16384xf32, #tpu.memory_space<hbm>>)
      %scan3A_216 = arith.constant 0 : i32
      %scan3A_217 = arith.constant 0 : i32
      %scan3A_218 = arith.constant 8 : i32
      %scan3A_219 = arith.addi %scan3A_217, %scan3A_218 : i32
      %scan3A_220 = arith.constant 1 : i32
      scf.for %scan3A_235 = %scan3A_217 to %scan3A_219 step %scan3A_220  : i32 {
        %mul3A_236 = arith.constant 16 : i32
        %mul3A_237 = arith.muli %scan3A_235, %mul3A_236 : i32
        %get3A = arith.index_cast %mul3A_237 : i32 to index
        %get3A_238 = tpu.vector_load %arg12[%get3A] {strides = array<i32>} : memref<256xi32, #tpu.memory_space<vmem>>, vector<16xi32>,
        tpu.vector_store_idx %arg8[%get3A_238], %broadcast_in_dim3A_4 : memref<16384xf32, #tpu.memory_space<vmem>>[vector<16xi32>], vector<16xf32>,
        %mul3A_239 = arith.constant 16 : i32
        %mul3A_240 = arith.muli %scan3A_235, %mul3A_239 : i32
        %add3A_241 = arith.constant 128 : i32
        %add3A_242 = arith.addi %add3A_241, %mul3A_240 : i32
        %get3A_243 = arith.index_cast %add3A_242 : i32 to index
        %get3A_244 = tpu.vector_load %arg12[%get3A_243] {strides = array<i32>} : memref<256xi32, #tpu.memory_space<vmem>>, vector<16xi32>,
        tpu.vector_store_idx %arg8[%get3A_244], %broadcast_in_dim3A_4 : memref<16384xf32, #tpu.memory_space<vmem>>[vector<16xi32>], vector<16xf32>,
      }
      %scan3A_221 = arith.constant 8 : i32
      %scan3A_222 = arith.constant 0 : i32
      %scan3A_223 = arith.constant 0 : i32
      %scan3A_224 = arith.constant 8 : i32
      %scan3A_225 = arith.addi %scan3A_223, %scan3A_224 : i32
      %scan3A_226 = arith.constant 1 : i32
      scf.for %scan3A_235 = %scan3A_223 to %scan3A_225 step %scan3A_226  : i32 {
        %mul3A_236 = arith.constant 128 : i32
        %mul3A_237 = arith.muli %add3A_206, %mul3A_236 : i32
        %mul3A_238 = arith.constant 16 : i32
        %mul3A_239 = arith.muli %scan3A_235, %mul3A_238 : i32
        %add3A_240 = arith.addi %mul3A_237, %mul3A_239 : i32
        %get3A = arith.index_cast %add3A_240 : i32 to index
        %get3A_241 = tpu.vector_load %arg4[%get3A] {strides = array<i32>} : memref<4096xf32, #tpu.memory_space<vmem>>, vector<16xf32>,
        %jit3A = arith.constant -1.000000e+00 : f32
        %jit3A_242 = arith.constant 1.000000e+00 : f32
        %max3A = vector.broadcast %jit3A : f32 to vector<16xf32>
        %max3A_243 = arith.maximumf %max3A, %get3A_241 : vector<16xf32>
        %min3A = vector.broadcast %jit3A_242 : f32 to vector<16xf32>
        %min3A_244 = arith.minimumf %min3A, %max3A_243 : vector<16xf32>
        %sub3A_245 = arith.constant -1.000000e+00 : f32
        %sub3A_246 = vector.broadcast %sub3A_245 : f32 to vector<16xf32>
        %sub3A_247 = arith.subf %min3A_244, %sub3A_246 : vector<16xf32>
        %mul3A_248 = arith.constant 6.350000e+01 : f32
        %mul3A_249 = vector.broadcast %mul3A_248 : f32 to vector<16xf32>
        %mul3A_250 = arith.mulf %sub3A_247, %mul3A_249 : vector<16xf32>
        %jit3A_251 = arith.constant 0.000000e+00 : f32
        %jit3A_252 = arith.constant 1.270000e+02 : f32
        %max3A_253 = vector.broadcast %jit3A_251 : f32 to vector<16xf32>
        %max3A_254 = arith.maximumf %max3A_253, %mul3A_250 : vector<16xf32>
        %min3A_255 = vector.broadcast %jit3A_252 : f32 to vector<16xf32>
        %min3A_256 = arith.minimumf %min3A_255, %max3A_254 : vector<16xf32>
        %convert_element_type3A = arith.fptosi %min3A_256 : vector<16xf32> to vector<16xi32>
        %convert_element_type3A_257 = arith.sitofp %convert_element_type3A : vector<16xi32> to vector<16xf32>
        %sub3A_258 = arith.subf %min3A_256, %convert_element_type3A_257 : vector<16xf32>
        %add3A_259 = arith.constant 1 : i32
        %add3A_260 = vector.broadcast %add3A_259 : i32 to vector<16xi32>
        %add3A_261 = arith.addi %convert_element_type3A, %add3A_260 : vector<16xi32>
        %min3A_262 = arith.constant 127 : i32
        %min3A_263 = vector.broadcast %min3A_262 : i32 to vector<16xi32>
        %min3A_264 = arith.minsi %add3A_261, %min3A_263 : vector<16xi32>
        %mul3A_265 = arith.constant 16 : i32
        %mul3A_266 = arith.muli %scan3A_235, %mul3A_265 : i32
        %add3A_267 = vector.broadcast %mul3A_266 : i32 to vector<16xi32>
        %add3A_268 = arith.addi %add3A_267, %iota3A : vector<16xi32>
        %mul3A_269 = arith.constant 128 : i32
        %mul3A_270 = vector.broadcast %mul3A_269 : i32 to vector<16xi32>
        %mul3A_271 = arith.muli %add3A_268, %mul3A_270 : vector<16xi32>
        %add3A_272 = arith.addi %mul3A_271, %convert_element_type3A : vector<16xi32>
        %add3A_273 = arith.addi %mul3A_271, %min3A_264 : vector<16xi32>
        %sub3A_274 = arith.constant 1.000000e+00 : f32
        %sub3A_275 = vector.broadcast %sub3A_274 : f32 to vector<16xf32>
        %sub3A_276 = arith.subf %sub3A_275, %sub3A_258 : vector<16xf32>
        tpu.vector_store_idx %arg8[%add3A_272], %sub3A_276 : memref<16384xf32, #tpu.memory_space<vmem>>[vector<16xi32>], vector<16xf32>,
        tpu.vector_store_idx %arg8[%add3A_273], %sub3A_258 {add = true} : memref<16384xf32, #tpu.memory_space<vmem>>[vector<16xi32>], vector<16xf32>,
        %mul3A_277 = arith.constant 16 : i32
        %mul3A_278 = arith.muli %scan3A_235, %mul3A_277 : i32
        %swap3A = arith.index_cast %mul3A_278 : i32 to index
        %swap3A_279 = tpu.vector_load %arg12[%swap3A] {strides = array<i32>} : memref<256xi32, #tpu.memory_space<vmem>>, vector<16xi32>,
        tpu.vector_store %arg12[%swap3A], %add3A_272 {strides = array<i32>} : memref<256xi32, #tpu.memory_space<vmem>>, vector<16xi32>,
        %mul3A_280 = arith.constant 16 : i32
        %mul3A_281 = arith.muli %scan3A_235, %mul3A_280 : i32
        %add3A_282 = arith.constant 128 : i32
        %add3A_283 = arith.addi %add3A_282, %mul3A_281 : i32
        %swap3A_284 = arith.index_cast %add3A_283 : i32 to index
        %swap3A_285 = tpu.vector_load %arg12[%swap3A_284] {strides = array<i32>} : memref<256xi32, #tpu.memory_space<vmem>>, vector<16xi32>,
        tpu.vector_store %arg12[%swap3A_284], %add3A_273 {strides = array<i32>} : memref<256xi32, #tpu.memory_space<vmem>>, vector<16xi32>,
      }
      %scan3A_227 = arith.constant 8 : i32
      %mul3A_228 = arith.constant 128 : i32
      %mul3A_229 = arith.muli %add3A_206, %mul3A_228 : i32
      %add3A_230 = arith.addi %mul3A_2, %mul3A_229 : i32
      %mul3A_231 = arith.constant 128 : i32
      %mul3A_232 = arith.muli %add3A_230, %mul3A_231 : i32
      %dma_start3A_233 = tpu.memref_slice %arg3[%mul3A_232] : memref<16777216xf32, #tpu.memory_space<hbm>> -> memref<16384xf32, #tpu.memory_space<hbm>>
      %dma_start3A_234 = tpu.memref_slice %arg3[%mul3A_232] : memref<16777216xf32, #tpu.memory_space<hbm>> -> memref<16384xf32, #tpu.memory_space<hbm>>
      tpu.enqueue_dma source(%arg8 : memref<16384xf32, #tpu.memory_space<vmem>>) target(%dma_start3A_234 : memref<16384xf32, #tpu.memory_space<hbm>>) target_semaphore(%arg16 : memref<!tpu.dma_semaphore, #tpu.memory_space<semaphore_mem>>)
    }
    %scan3A_82 = arith.constant 7 : i32
    %add3A_83 = arith.constant 3584 : i32
    %add3A_84 = arith.addi %mul3A_2, %add3A_83 : i32
    %mul3A_85 = arith.constant 128 : i32
    %mul3A_86 = arith.muli %add3A_84, %mul3A_85 : i32
    %dma_wait3A_87 = tpu.memref_slice %arg3[%mul3A_86] : memref<16777216xf32, #tpu.memory_space<hbm>> -> memref<16384xf32, #tpu.memory_space<hbm>>
    %dma_wait3A_88 = tpu.memref_slice %arg3[%mul3A_86] : memref<16777216xf32, #tpu.memory_space<hbm>> -> memref<16384xf32, #tpu.memory_space<hbm>>
    tpu.wait_dma2 semaphore(%arg13 : memref<!tpu.dma_semaphore, #tpu.memory_space<semaphore_mem>>) src(%arg5 : memref<16384xf32, #tpu.memory_space<vmem>>) dst(%dma_wait3A_88 : memref<16384xf32, #tpu.memory_space<hbm>>)
    %add3A_89 = arith.constant 3712 : i32
    %add3A_90 = arith.addi %mul3A_2, %add3A_89 : i32
    %mul3A_91 = arith.constant 128 : i32
    %mul3A_92 = arith.muli %add3A_90, %mul3A_91 : i32
    %dma_wait3A_93 = tpu.memref_slice %arg3[%mul3A_92] : memref<16777216xf32, #tpu.memory_space<hbm>> -> memref<16384xf32, #tpu.memory_space<hbm>>
    %dma_wait3A_94 = tpu.memref_slice %arg3[%mul3A_92] : memref<16777216xf32, #tpu.memory_space<hbm>> -> memref<16384xf32, #tpu.memory_space<hbm>>
    tpu.wait_dma2 semaphore(%arg14 : memref<!tpu.dma_semaphore, #tpu.memory_space<semaphore_mem>>) src(%arg6 : memref<16384xf32, #tpu.memory_space<vmem>>) dst(%dma_wait3A_94 : memref<16384xf32, #tpu.memory_space<hbm>>)
    %add3A_95 = arith.constant 3840 : i32
    %add3A_96 = arith.addi %mul3A_2, %add3A_95 : i32
    %mul3A_97 = arith.constant 128 : i32
    %mul3A_98 = arith.muli %add3A_96, %mul3A_97 : i32
    %dma_wait3A_99 = tpu.memref_slice %arg3[%mul3A_98] : memref<16777216xf32, #tpu.memory_space<hbm>> -> memref<16384xf32, #tpu.memory_space<hbm>>
    %dma_wait3A_100 = tpu.memref_slice %arg3[%mul3A_98] : memref<16777216xf32, #tpu.memory_space<hbm>> -> memref<16384xf32, #tpu.memory_space<hbm>>
    tpu.wait_dma2 semaphore(%arg15 : memref<!tpu.dma_semaphore, #tpu.memory_space<semaphore_mem>>) src(%arg7 : memref<16384xf32, #tpu.memory_space<vmem>>) dst(%dma_wait3A_100 : memref<16384xf32, #tpu.memory_space<hbm>>)
    %add3A_101 = arith.constant 3968 : i32
    %add3A_102 = arith.addi %mul3A_2, %add3A_101 : i32
    %mul3A_103 = arith.constant 128 : i32
    %mul3A_104 = arith.muli %add3A_102, %mul3A_103 : i32
    %dma_wait3A_105 = tpu.memref_slice %arg3[%mul3A_104] : memref<16777216xf32, #tpu.memory_space<hbm>> -> memref<16384xf32, #tpu.memory_space<hbm>>
    %dma_wait3A_106 = tpu.memref_slice %arg3[%mul3A_104] : memref<16777216xf32, #tpu.memory_space<hbm>> -> memref<16384xf32, #tpu.memory_space<hbm>>
    tpu.wait_dma2 semaphore(%arg16 : memref<!tpu.dma_semaphore, #tpu.memory_space<semaphore_mem>>) src(%arg8 : memref<16384xf32, #tpu.memory_space<vmem>>) dst(%dma_wait3A_106 : memref<16384xf32, #tpu.memory_space<hbm>>)
    return
  }
}

</mosaic_0001>

<sc_bundles>
// kernel: kernel.3.cloned.1.call-start
scs
__scs_entry_jumppad:
0x0: {  	(pc) =	sbr.rel $0x88, $3  }
0x1: {  	(tag) =	ssettag $0x0;
	lr =	simm.s32 $0x1  }
0x2: {  	[smem:$0x3FA0] =	sst lr;
	_ =	strace $0xD0000000  }
0x3: {  	_ = 	snop  }
0x4: {  	_ = 	snop  }
0x5: {  	_ = 	snop  }
0x6: {  	_ = 	snop  }
0x7: {  	_ = 	snop  }
__scs_overlays_trampoline_lowered:
0x8: {  	[smem:$0x3FAF] =	sst s0  }
0x9: {  	[smem:$0x3FB0] =	sst s1  }
0xa: {  	[smem:$0x3FB1] =	sst s2  }
0xb: {  	[smem:$0x3FB2] =	sst s3  }
0xc: {  	[smem:$0x3FB3] =	sst s4  }
0xd: {  	[smem:$0x3FB4] =	sst s5  }
0xe: {  	[smem:$0x3FB5] =	sst s6  }
0xf: {  	[smem:$0x3FB6] =	sst s7  }
0x10: {  	[smem:$0x3FB7] =	sst s8  }
0x11: {  	[smem:$0x3FB8] =	sst s9;
	s0 =	simm.s32 @!p0 $0x0  }
0x12: {  	s1 =	sld [smem:$0x3F9E];
	s0 =	simm.s32 @p0 $0x1  }
0x13: {  	[smem:$0x3FB9] =	sst s0;
	s0 =	simm.s32 @!p1 $0x0  }
0x14: {  	s2 =	sld [smem:$0x3F9D];
	s0 =	simm.s32 @p1 $0x1  }
0x15: {  	[smem:$0x3FBA] =	sst s0;
	s0 =	simm.s32 @!p2 $0x0  }
0x16: {  	s3 =	sld [smem:$0x3FDB];
	s0 =	simm.s32 @p2 $0x1  }
0x17: {  	s4 =	simm.s32 $0x1BF5;
	[smem:$0x3FBC] =	sst s0  }
0x18: {  	s0 =	sld [smem:$0x3F9F];
	_ =	swait.ge [sflag:s4], $0x0  }
0x19: {  	s7 =	sld [smem:$0x3FA0]  }
0x1a: {  	s8 =	sadd.s32 $0xFFFFE003, lr  }
0x1b: {  	s9 =	sadd.s32 $0xFFFFFEF7, lr;
	s5 =	simm.s32 $0xFFFFFFFF;
	p2 =	slt.u32 s8, $0xFFFFF086  }
0x1c: {  	p1 =	slt.u32 s9, $0xF7A;
	s5 =	simm.s32 @!p2 $0x0  }
0x1d: {  	s5 =	simm.s32 @p1 $0x1;
	p0 =	seq.s32 s7, s2  }
0x1e: {  	s7 =	smul.u32 @!p0 $0xF7A, s2;
	p2 =	seq.s32 @!p0 s5, $0x0  }
0x1f: {  	s9 =	smul.u32 $0xF7A, s1;
	s8 =	simm.s32 @!p0 $0x1BF5;
	p2 =	por !p2, p0  }
0x20: {  	[sflag:s8] =	ssyncset.s32 @!p0 $0xFFFFF086;
	s6 =	sadd.s32 @!p0 s3, s7;
	s7 =	simm.s32 @!p0 $0x108  }
0x21: {  	s3 =	sadd.s32 s3, s9;
	s6 =	sadd.s32 @!p0 $0x88, s6;
	s7 =	simm.s32 @p2 $0x1082  }
0x22: {  	[simem:s7], [sflag:s8] =	dma.local @!p0 [hbm:s6], $0xF7A  }
0x23: {  	s9 =	sor.u32 $0xD0000000, s2;
	s6 =	simm.s32 $0x108;
	_ =	swait.ge @!p0 [sflag:s8], $0x0  }
0x24: {  	s3 =	sadd.s32 $0x88, s3;
	s6 =	simm.s32 @!p1 $0x1082;
	[sflag:s4] =	ssyncset.s32 $0xFFFFF086  }
0x25: {  	[simem:s6], [sflag:s4] =	dma.local [hbm:s3], $0xF7A  }
0x26: {  	[smem:$0x3FA0] =	sst s1;
	(tag) =	ssettag s2;
	_ =	strace s9  }
0x27: {  	s1 =	sld [smem:$0x3FB0]  }
0x28: {  	s2 =	sld [smem:$0x3FB1]  }
0x29: {  	s4 =	sld [smem:$0x3FB3]  }
0x2a: {  	p0 =	seq.s32 s5, $0x0;
	s5 =	sld [smem:$0x3FB4]  }
0x2b: {  	s6 =	sld [smem:$0x3FB5]  }
0x2c: {  	s7 =	sld [smem:$0x3FB6]  }
0x2d: {  	s3 =	simm.s32 $0x108;
	s8 =	sld [smem:$0x3FB7]  }
0x2e: {  	s3 =	simm.s32 @!p0 $0x1082;
	s9 =	sld [smem:$0x3FB8]  }
0x2f: {  	lr =	sadd.s32 s0, s3;
	s0 =	sld [smem:$0x3FAF]  }
0x30: {  	s3 =	sld [smem:$0x3FB2]  }
0x31: {  	[smem:$0x3FBB] =	sst s10  }
0x32: {  	s10 =	sld [smem:$0x3FB9];
	_ =	sdelay $0x3  }
0x33: {  	p0 =	seq.s32 s10, $0x1;
	s10 =	sld [smem:$0x3FBB];
	_ =	sdelay $0x3  }
0x34: {  	[smem:$0x3FBB] =	sst s10  }
0x35: {  	s10 =	sld [smem:$0x3FBA];
	_ =	sdelay $0x3  }
0x36: {  	p1 =	seq.s32 s10, $0x1;
	s10 =	sld [smem:$0x3FBB];
	_ =	sdelay $0x3  }
0x37: {  	[smem:$0x3FBB] =	sst s10  }
0x38: {  	s10 =	sld [smem:$0x3FBC]  }
0x39: {  	_ = 	snop;
	(pc) =	sbr.ind lr, $3  }
0x3a: {  	_ = 	snop  }
0x3b: {  	_ = 	snop  }
0x3c: {  	p2 =	seq.s32 s10, $0x1;
	s10 =	sld [smem:$0x3FBB]  }
0x3d: {  	_ =	shalt  }
0x3e: {  	_ =	shalt  }
0x3f: {  	_ =	shalt  }
0x40: {  	_ =	shalt  }
0x41: {  	_ =	shalt  }
0x42: {  	_ =	shalt  }
0x43: {  	_ =	shalt  }
0x44: {  	_ =	shalt  }
0x45: {  	_ =	shalt  }
0x46: {  	_ =	shalt  }
0x47: {  	_ =	shalt  }
0x48: {  	_ =	shalt  }
0x49: {  	_ =	shalt  }
0x4a: {  	_ =	shalt  }
0x4b: {  	_ =	shalt  }
0x4c: {  	_ =	shalt  }
0x4d: {  	_ =	shalt  }
0x4e: {  	_ =	shalt  }
0x4f: {  	_ =	shalt  }
0x50: {  	_ =	shalt  }
0x51: {  	_ =	shalt  }
0x52: {  	_ =	shalt  }
0x53: {  	_ =	shalt  }
0x54: {  	_ =	shalt  }
0x55: {  	_ =	shalt  }
0x56: {  	_ =	shalt  }
0x57: {  	_ =	shalt  }
0x58: {  	_ =	shalt  }
0x59: {  	_ =	shalt  }
0x5a: {  	_ =	shalt  }
0x5b: {  	_ =	shalt  }
0x5c: {  	_ =	shalt  }
0x5d: {  	_ =	shalt  }
0x5e: {  	_ =	shalt  }
0x5f: {  	_ =	shalt  }
0x60: {  	_ =	shalt  }
0x61: {  	_ =	shalt  }
0x62: {  	_ =	shalt  }
0x63: {  	_ =	shalt  }
0x64: {  	_ =	shalt  }
0x65: {  	_ =	shalt  }
0x66: {  	_ =	shalt  }
0x67: {  	_ =	shalt  }
0x68: {  	_ =	shalt  }
0x69: {  	_ =	shalt  }
0x6a: {  	_ =	shalt  }
0x6b: {  	_ =	shalt  }
0x6c: {  	_ =	shalt  }
0x6d: {  	_ =	shalt  }
0x6e: {  	_ =	shalt  }
0x6f: {  	_ =	shalt  }
0x70: {  	_ =	shalt  }
0x71: {  	_ =	shalt  }
0x72: {  	_ =	shalt  }
0x73: {  	_ =	shalt  }
0x74: {  	_ =	shalt  }
0x75: {  	_ =	shalt  }
0x76: {  	_ =	shalt  }
0x77: {  	_ =	shalt  }
0x78: {  	_ =	shalt  }
0x79: {  	_ =	shalt  }
0x7a: {  	_ =	shalt  }
0x7b: {  	_ =	shalt  }
0x7c: {  	_ =	shalt  }
0x7d: {  	_ =	shalt  }
0x7e: {  	_ =	shalt  }
0x7f: {  	_ =	shalt  }
0x80: {  	_ =	shalt  }
0x81: {  	_ =	shalt  }
0x82: {  	_ =	shalt  }
0x83: {  	_ =	shalt  }
0x84: {  	_ =	shalt  }
0x85: {  	_ =	shalt  }
0x86: {  	_ =	shalt  }
0x87: {  	_ =	shalt  }
.Lfunc_end0:
.L_simem_size_0:
called_computation_lowered:
.L_overlay_start_0:
0x88: {  	s2 =	sld [smem:$0x3FD9]  }
0x89: {  	s3 =	sld [smem:$0x3FFE];
	_ =	sdelay $0x1  }
0x8a: {  	s1 =	srdreg.scid  }
0x8b: {  	s0 =	sand.u32 $0x1, s1  }
0x8c: {  	s18 =	sshll.u32 s0, $0xA;
	s2 =	sadd.s32 s3, s2  }
0x8d: {  	s2 =	sadd.s32 s2, s18  }
0x8e: {  	[smem:$0x3FC7] =	sst s2  }
0x8f: {  	_ = 	snop  }
0x90: {  	s2 =	sld [smem:$0x3FC9]  }
0x91: {  	s19 =	sld [smem:$0x3FD0];
	(tm) =	ssettm $0x1  }
0x92: {  	s4 =	sld [smem:$0x3FFB];
	_ =	sdelay $0x3  }
0x93: {  	_ =	strace s4  }
0x94: {  	s4 =	sld [smem:$0x3FFC];
	_ =	sdelay $0x3  }
0x95: {  	_ =	strace s4  }
0x96: {  	s4 =	sld [smem:$0x3FFD];
	_ =	sdelay $0x3  }
0x97: {  	_ =	strace s4  }
0x98: {  	_ =	strace $0x8FFFFFFF  }
0x99: {  	s20 =	sld [smem:$0x3FDB];
	_ =	sdelay $0x1  }
0x9a: {  	s5 =	simm.s32 $_scs_section_size  }
0x9b: {  	s6 =	simm.s32 $_size__tile_overlayer_lowered;
	s7 =	simm.s32 $_tile_overlayer_lowered  }
0x9c: {  	s23 =	simm.s32 $0x1BFF;
	s22 =	sshll.u32 s7, $0x1;
	s4 =	sadd.s32 s5, s20  }
0x9d: {  	s8 =	simm.s32 $0x0;
	s21 =	sshll.u32 s6, $0x1;
	s6 =	sadd.s32 s22, s4  }
0x9e: {  	[timem:s8], [sflag:s23] =	dma.local [hbm:s6], s21  }
0x9f: {  	_ =	swait.ge [sflag:s23], s21  }
0xa0: {  	s5 =	ssub.s32 $0x0, s21;
	[sflag:s23] =	ssyncset.done $0x0  }
0xa1: {  	[sflag:s23] =	ssyncadd.s32 s5;
	_ =	sdelay $0x1  }
0xa2: {  	s24 =	simm.s32 $0x1B8B  }
0xa3: {  	_ =	swait.ge [sflag:s24], $0x1  }
0xa4: {  	[sflag:s24] =	ssyncset.done $0x0  }
0xa5: {  	s25 =	simm.s32 $0x1B8E;
	[sflag:s24] =	ssyncadd.s32 $0xFFFFFFFF  }
0xa6: {  	s26 =	simm.s32 $execute0_lowered;
	[smem:$0x3FD2] =	sst s25  }
0xa7: {  	s5 =	sshll.u32 s26, $0x1;
	_ =	strace $0x80000046;
	[dreg:$0x1] =	wrdreg $0xFFFFFFFF  }
0xa8: {  	s28 =	simm.s32 $_size_execute0_lowered;
	s4 =	sadd.s32 s4, s5;
	[dreg:$0x0] =	wrdreg $0x0  }
0xa9: {  	s5 =	sshll.u32 s28, $0x1;
	[dreg:$0x2] =	wrdreg s4  }
0xaa: {  	[dreg:$0x3] =	wrdreg s5  }
0xab: {  	[dreg:$0x4] =	wrdreg $0xC0  }
0xac: {  	_ =	task [dreg:s8], $0x5FFFF  }
0xad: {  	[dreg:$0x1] =	wrdreg $0xFFFFFFFF  }
0xae: {  	[dreg:$0x0] =	wrdreg $0x60  }
0xaf: {  	[dreg:$0x2] =	wrdreg s2  }
0xb0: {  	[dreg:$0x3] =	wrdreg s19  }
0xb1: {  	[dreg:$0x4] =	wrdreg $0x9  }
0xb2: {  	_ =	task.clear_ibuf [dreg:s8], $0x5FFFF;
	_ =	strace $0x90000046  }
0xb3: {  	s29 =	simm.s32 $0x9;
	_ =	strace $0x80000048  }
0xb4: {  	_ =	swait.ge [sflag:s29], $0x1  }
0xb5: {  	[sflag:s29] =	ssyncadd.s32 $0xFFFFFFFF  }
0xb6: {  	_ =	strace $0x90000048  }
0xb7: {  	_ =	sfence  }
0xb8: {  	s30 =	sld [smem:$0x0];
	_ =	sdelay $0x2  }
0xb9: {  	s31 =	sshll.u32 s1, $0xD;
	s1 =	sshrl.u32 s1, $0x2  }
0xba: {  	s3 =	sand.u32 $0x4000, s31;
	s1 =	sadd.s32 s1, s30  }
0xbb: {  	s0 =	sor.u32 s3, s0;
	s1 =	sshll.u32 s1, $0x11  }
0xbc: {  	s0 =	sor.u32 s1, s0  }
0xbd: {  	s0 =	sadd.s32 $0x8F2B, s0  }
0xbe: {  	[sflag:s0] =	ssyncadd.remote.s32 $0x1  }
0xbf: {  	_ =	sfence.sel $0xFFFF  }
0xc0: {  	[dreg:$0x0] =	wrdreg $0xFFFFFFFF;
	(pc) =	sbr.abs _section_cstart, $3  }
0xc1: {  	[dreg:$0x1] =	wrdreg $0xFFFFFFFF  }
0xc2: {  	_ =	task.clear_ibuf [dreg:s8], $0x2FFFF;
	_ =	strace $0x9FFFFFFF  }
0xc3: {  	(tm) =	ssettm $0x7FFFFFFF  }
tec
execute0_lowered:
.L_overlay_start_1:
0x0: {  	(tag) =	ssettag $0x1  }
0x1: {  	s4 =	rddreg [dreg:$0x0]  }
0x2: {  	s3 =	rddreg [dreg:$0x1]  }
0x3: {  	s0 =	rddreg [dreg:$0x2];
	s5 =	srdreg.scid  }
0x4: {  	s1 =	stileid.u32;
	s2 =	simm.s32 $0x0;
	s9 =	simm.s32 $0x1  }
0x5: {  	s10 =	simm.s32 $0x1000;
	s11 =	simm.s32 $0x5000;
	s12 =	simm.s32 $0x9000  }
0x6: {  	s13 =	simm.s32 $0xD000;
	s14 =	simm.s32 $0x2;
	s15 =	simm.s32 $0x3  }
0x7: {  	s16 =	simm.s32 $0x4;
	s5 =	sand.u32 $0x1, s5;
	s6 =	sshll.u32 s1, $0x1  }
0x8: {  	s17 =	simm.s32 $0x0;
	[smem:$0x7FF] =	sst s2;
	s6 =	sor.u32 s5, s6  }
0x9: {  	_ =	strace $0x80000047;
	s5 =	ssub.s32 $0x2, s5;
	s7 =	sshll.u32 s6, $0x10  }
0xa: {  	s8 =	sshrl.u32 s5, $0x1;
	s6 =	sshll.u32 s6, $0x9;
	s3 =	sadd.s32 s3, s7  }
0xb: {  	v1 =	vlaneseq.u32;
	s8 =	ssub.s32 s5, s8;
	s4 =	sadd.s32 s4, s6;
	s5 =	sadd.s32 $0x800, s3  }
0xc: {  	v0 =	vimm.f32 $0.0e+00;
	v1 =	vmul.u32 $0x80, v1;
	s6 =	sadd.s32 $0x1000, s3;
	s7 =	sadd.s32 $0x1800, s3;
	s8 =	smax.u32 s8, $0x1  }
.LBB2_1:
0xd: {  	[tilespmem:s2], [sflag:$0x1] =	stream.linear.gather [hbm4b:s4+s2], $0x1000, $0x38;
	[tilespmem:$0x11400] =	vst v63  }
0xe: {  	s18 =	simm.s32 $0x0;
	s19 =	simm.s32 $0x200  }
.LBB2_2:
0xf: {  	p0 =	sne.s32 s19, $0xFE00;
	[tilespmem:s18+$0x1070] =	vst v0  }
0x10: {  	[tilespmem:s18+$0x1000] =	vst v0  }
0x11: {  	[tilespmem:s18+$0x1010] =	vst v0  }
.Ltmp0:
0x12: {  	[tilespmem:s18+$0x1020] =	vst v0;
	(pc) =	sbr.rel @p0 .LBB2_2-.Ltmp0, $4  }
0x13: {  	[tilespmem:s18+$0x1030] =	vst v0  }
0x14: {  	[tilespmem:s18+$0x1040] =	vst v0  }
0x15: {  	[tilespmem:s18+$0x1050] =	vst v0  }
0x16: {  	[tilespmem:s18+$0x1060] =	vst v0;
	s18 =	sshra.s32 s19, $0x2;
	s19 =	sadd.s32 $0x200, s19  }
0x17: {  	[tilespmem:s18+$0x1070] =	vst v0  }
0x18: {  	[tilespmem:s18+$0x1000] =	vst v0  }
0x19: {  	[tilespmem:s18+$0x1010] =	vst v0  }
0x1a: {  	[tilespmem:s18+$0x1020] =	vst v0  }
0x1b: {  	[tilespmem:s18+$0x1030] =	vst v0  }
0x1c: {  	[tilespmem:s18+$0x1040] =	vst v0  }
0x1d: {  	[tilespmem:s18+$0x1050] =	vst v0  }
0x1e: {  	[tilespmem:s18+$0x1060] =	vst v0  }
0x1f: {  	_ =	swait.ge [sflag:s9], $0x1000  }
0x20: {  	[sflag:s9] =	ssyncset.done $0x0  }
0x21: {  	s18 =	simm.s32 $0x0;
	[sflag:s9] =	ssyncadd.s32 $0xFFFFF000  }
0x22: {  	v2 =	vld [tilespmem:s18+$0x0];
	_ =	sdelay $0x4  }
0x23: {  	v2 =	vmax.f32 v2, $-1.000000000e+00  }
0x24: {  	v2 =	vmin.f32 v2, $1.000000000e+00  }
0x25: {  	v2 =	vadd.f32 $1.000000000e+00, v2;
	_ =	sdelay $0x1  }
0x26: {  	v2 =	vmul.f32 $6.350000000e+01, v2;
	_ =	sdelay $0x1  }
0x27: {  	v2 =	vmax.f32 v2, $0.0e+00  }
0x28: {  	v2 =	vmin.f32 v2, $1.270000000e+02  }
0x29: {  	v3 =	vtrunc.f32 v2  }
0x2a: {  	v3 =	vcvt.f32.s32 v3  }
0x2b: {  	v4 =	vmov s18  }
0x2c: {  	v4 =	vshll.u32 v4, $0x7;
	v5 =	vadd.s32 $0x1, v3  }
0x2d: {  	v4 =	vor.u32 v1, v4;
	v6 =	vcvt.s32.f32 v3;
	vm0 =	vlt.s32 v5, $0x7F  }
0x2e: {  	v3 =	vadd.s32 v3, v4;
	v5 =	vnsel vm0, $0x7F, v5  }
0x2f: {  	v6 =	vsub.f32 v2, v6;
	v2 =	vadd.s32 v4, v5;
	_ =	sdelay $0x1  }
0x30: {  	v4 =	vsub.f32 $1.000000000e+00, v6;
	_ =	sdelay $0x1  }
0x31: {  	[tilespmem:v3+s10+$0x0] =	vst.idx.msk $0xffff, v4  }
0x32: {  	s19 =	simm.s32 $0x11080;
	s20 =	simm.s32 $0x10;
	s21 =	simm.s32 $0x11080;
	[tilespmem:v2+s10+$0x0] =	vst.idx.add.f32.msk $0xffff, v6  }
.LBB2_4:
0x33: {  	p0 =	sne.s32 s20, $0x70;
	[tilespmem:s19+$0xFFFFFF80] =	vst v3;
	s21 =	sadd.s32 $0x10, s21;
	s18 =	sadd.s32 $0x10, s18  }
0x34: {  	s22 =	smov.u32 s20;
	s20 =	sadd.s32 $0x10, s20;
	[tilespmem:s19+$0x0] =	vst v2;
	s19 =	smov.u32 s21  }
0x35: {  	v2 =	vld [tilespmem:s18+$0x0];
	_ =	sdelay $0x4  }
0x36: {  	v2 =	vmax.f32 v2, $-1.000000000e+00  }
0x37: {  	v2 =	vmin.f32 v2, $1.000000000e+00  }
0x38: {  	v2 =	vadd.f32 $1.000000000e+00, v2;
	_ =	sdelay $0x1  }
0x39: {  	v2 =	vmul.f32 $6.350000000e+01, v2;
	_ =	sdelay $0x1  }
0x3a: {  	v2 =	vmax.f32 v2, $0.0e+00  }
0x3b: {  	v2 =	vmin.f32 v2, $1.270000000e+02  }
0x3c: {  	v3 =	vtrunc.f32 v2  }
0x3d: {  	v3 =	vcvt.f32.s32 v3  }
0x3e: {  	v4 =	vmov s22  }
0x3f: {  	v4 =	vshll.u32 v4, $0x7;
	v5 =	vcvt.s32.f32 v3;
	v6 =	vadd.s32 $0x1, v3  }
0x40: {  	v4 =	vor.u32 v1, v4;
	vm0 =	vlt.s32 v6, $0x7F  }
0x41: {  	v3 =	vadd.s32 v3, v4;
	v5 =	vsub.f32 v2, v5;
	v2 =	vnsel vm0, $0x7F, v6  }
0x42: {  	v2 =	vadd.s32 v4, v2  }
.Ltmp1:
0x43: {  	v4 =	vsub.f32 $1.000000000e+00, v5;
	(pc) =	sbr.rel @p0 .LBB2_4-.Ltmp1, $3  }
0x44: {  	_ =	sdelay $0x1  }
0x45: {  	[tilespmem:v3+s10+$0x0] =	vst.idx.msk $0xffff, v4  }
0x46: {  	[tilespmem:v2+s10+$0x0] =	vst.idx.add.f32.msk $0xffff, v5  }
0x47: {  	[tilespmem:s19+$0xFFFFFF80] =	vst v3  }
0x48: {  	[tilespmem:s19+$0x0] =	vst v2;
	s19 =	simm.s32 $0x0;
	s18 =	simm.s32 $0x0;
	s20 =	simm.s32 $0x200  }
0x49: {  	[hbm4b:s3+s19] =	stream.linear.scatter [tilespmem:s10], [sflag:$0x1], $0x4000, $0x38;
	[tilespmem:$0x11400] =	vst v63  }
.LBB2_6:
0x4a: {  	p0 =	sne.s32 s20, $0xFE00;
	[tilespmem:s18+$0x5070] =	vst v0  }
0x4b: {  	[tilespmem:s18+$0x5000] =	vst v0  }
0x4c: {  	[tilespmem:s18+$0x5010] =	vst v0  }
.Ltmp2:
0x4d: {  	[tilespmem:s18+$0x5020] =	vst v0;
	(pc) =	sbr.rel @p0 .LBB2_6-.Ltmp2, $4  }
0x4e: {  	[tilespmem:s18+$0x5030] =	vst v0  }
0x4f: {  	[tilespmem:s18+$0x5040] =	vst v0  }
0x50: {  	[tilespmem:s18+$0x5050] =	vst v0  }
0x51: {  	[tilespmem:s18+$0x5060] =	vst v0;
	s18 =	sshra.s32 s20, $0x2;
	s20 =	sadd.s32 $0x200, s20  }
0x52: {  	[tilespmem:s18+$0x5070] =	vst v0  }
0x53: {  	[tilespmem:s18+$0x5000] =	vst v0  }
0x54: {  	[tilespmem:s18+$0x5010] =	vst v0  }
0x55: {  	[tilespmem:s18+$0x5020] =	vst v0  }
0x56: {  	[tilespmem:s18+$0x5030] =	vst v0  }
0x57: {  	[tilespmem:s18+$0x5040] =	vst v0  }
0x58: {  	[tilespmem:s18+$0x5050] =	vst v0  }
0x59: {  	[tilespmem:s18+$0x5060] =	vst v0;
	s18 =	simm.s32 $0x80  }
0x5a: {  	v2 =	vld [tilespmem:s18+$0x0];
	_ =	sdelay $0x4  }
0x5b: {  	v2 =	vmax.f32 v2, $-1.000000000e+00  }
0x5c: {  	v2 =	vmin.f32 v2, $1.000000000e+00  }
0x5d: {  	v2 =	vadd.f32 $1.000000000e+00, v2;
	_ =	sdelay $0x1  }
0x5e: {  	v2 =	vmul.f32 $6.350000000e+01, v2;
	_ =	sdelay $0x1  }
0x5f: {  	v2 =	vmax.f32 v2, $0.0e+00  }
0x60: {  	v2 =	vmin.f32 v2, $1.270000000e+02  }
0x61: {  	v3 =	vtrunc.f32 v2  }
0x62: {  	v3 =	vcvt.f32.s32 v3  }
0x63: {  	v4 =	vmov s19  }
0x64: {  	v4 =	vshll.u32 v4, $0x7;
	v5 =	vadd.s32 $0x1, v3  }
0x65: {  	v4 =	vor.u32 v1, v4;
	v6 =	vcvt.s32.f32 v3;
	vm0 =	vlt.s32 v5, $0x7F  }
0x66: {  	v3 =	vadd.s32 v3, v4;
	v5 =	vnsel vm0, $0x7F, v5  }
0x67: {  	v6 =	vsub.f32 v2, v6;
	v2 =	vadd.s32 v4, v5;
	_ =	sdelay $0x1  }
0x68: {  	v4 =	vsub.f32 $1.000000000e+00, v6;
	_ =	sdelay $0x1  }
0x69: {  	[tilespmem:v3+s11+$0x0] =	vst.idx.msk $0xffff, v4  }
0x6a: {  	s19 =	simm.s32 $0x11180;
	s20 =	simm.s32 $0x10;
	s21 =	simm.s32 $0x11180;
	[tilespmem:v2+s11+$0x0] =	vst.idx.add.f32.msk $0xffff, v6  }
.LBB2_8:
0x6b: {  	p0 =	sne.s32 s20, $0x70;
	[tilespmem:s19+$0xFFFFFF80] =	vst v3;
	s18 =	sadd.s32 $0x10, s18;
	s21 =	sadd.s32 $0x10, s21  }
0x6c: {  	s22 =	smov.u32 s20;
	s20 =	sadd.s32 $0x10, s20;
	[tilespmem:s19+$0x0] =	vst v2;
	s19 =	smov.u32 s21  }
0x6d: {  	v2 =	vld [tilespmem:s18+$0x0];
	_ =	sdelay $0x4  }
0x6e: {  	v2 =	vmax.f32 v2, $-1.000000000e+00  }
0x6f: {  	v2 =	vmin.f32 v2, $1.000000000e+00  }
0x70: {  	v2 =	vadd.f32 $1.000000000e+00, v2;
	_ =	sdelay $0x1  }
0x71: {  	v2 =	vmul.f32 $6.350000000e+01, v2;
	_ =	sdelay $0x1  }
0x72: {  	v2 =	vmax.f32 v2, $0.0e+00  }
0x73: {  	v2 =	vmin.f32 v2, $1.270000000e+02  }
0x74: {  	v3 =	vtrunc.f32 v2  }
0x75: {  	v3 =	vcvt.f32.s32 v3  }
0x76: {  	v4 =	vmov s22  }
0x77: {  	v4 =	vshll.u32 v4, $0x7;
	v5 =	vcvt.s32.f32 v3;
	v6 =	vadd.s32 $0x1, v3  }
0x78: {  	v4 =	vor.u32 v1, v4;
	vm0 =	vlt.s32 v6, $0x7F  }
0x79: {  	v3 =	vadd.s32 v3, v4;
	v5 =	vsub.f32 v2, v5;
	v2 =	vnsel vm0, $0x7F, v6  }
0x7a: {  	v2 =	vadd.s32 v4, v2  }
.Ltmp3:
0x7b: {  	v4 =	vsub.f32 $1.000000000e+00, v5;
	(pc) =	sbr.rel @p0 .LBB2_8-.Ltmp3, $3  }
0x7c: {  	_ =	sdelay $0x1  }
0x7d: {  	[tilespmem:v3+s11+$0x0] =	vst.idx.msk $0xffff, v4  }
0x7e: {  	[tilespmem:v2+s11+$0x0] =	vst.idx.add.f32.msk $0xffff, v5  }
0x7f: {  	[tilespmem:s19+$0xFFFFFF80] =	vst v3  }
0x80: {  	[tilespmem:s19+$0x0] =	vst v2;
	s19 =	simm.s32 $0x0;
	s18 =	simm.s32 $0x0;
	s20 =	simm.s32 $0x200  }
0x81: {  	[hbm4b:s5+s19] =	stream.linear.scatter [tilespmem:s11], [sflag:$0x2], $0x4000, $0x38;
	[tilespmem:$0x11400] =	vst v63  }
.LBB2_10:
0x82: {  	p0 =	sne.s32 s20, $0xFE00;
	[tilespmem:s18+$0x9070] =	vst v0  }
0x83: {  	[tilespmem:s18+$0x9000] =	vst v0  }
0x84: {  	[tilespmem:s18+$0x9010] =	vst v0  }
.Ltmp4:
0x85: {  	[tilespmem:s18+$0x9020] =	vst v0;
	(pc) =	sbr.rel @p0 .LBB2_10-.Ltmp4, $4  }
0x86: {  	[tilespmem:s18+$0x9030] =	vst v0  }
0x87: {  	[tilespmem:s18+$0x9040] =	vst v0  }
0x88: {  	[tilespmem:s18+$0x9050] =	vst v0  }
0x89: {  	[tilespmem:s18+$0x9060] =	vst v0;
	s18 =	sshra.s32 s20, $0x2;
	s20 =	sadd.s32 $0x200, s20  }
0x8a: {  	[tilespmem:s18+$0x9070] =	vst v0  }
0x8b: {  	[tilespmem:s18+$0x9000] =	vst v0  }
0x8c: {  	[tilespmem:s18+$0x9010] =	vst v0  }
0x8d: {  	[tilespmem:s18+$0x9020] =	vst v0  }
0x8e: {  	[tilespmem:s18+$0x9030] =	vst v0  }
0x8f: {  	[tilespmem:s18+$0x9040] =	vst v0  }
0x90: {  	[tilespmem:s18+$0x9050] =	vst v0  }
0x91: {  	[tilespmem:s18+$0x9060] =	vst v0;
	s18 =	simm.s32 $0x100  }
0x92: {  	v2 =	vld [tilespmem:s18+$0x0];
	_ =	sdelay $0x4  }
0x93: {  	v2 =	vmax.f32 v2, $-1.000000000e+00  }
0x94: {  	v2 =	vmin.f32 v2, $1.000000000e+00  }
0x95: {  	v2 =	vadd.f32 $1.000000000e+00, v2;
	_ =	sdelay $0x1  }
0x96: {  	v2 =	vmul.f32 $6.350000000e+01, v2;
	_ =	sdelay $0x1  }
0x97: {  	v2 =	vmax.f32 v2, $0.0e+00  }
0x98: {  	v2 =	vmin.f32 v2, $1.270000000e+02  }
0x99: {  	v3 =	vtrunc.f32 v2  }
0x9a: {  	v3 =	vcvt.f32.s32 v3  }
0x9b: {  	v4 =	vmov s19  }
0x9c: {  	v4 =	vshll.u32 v4, $0x7;
	v5 =	vadd.s32 $0x1, v3  }
0x9d: {  	v4 =	vor.u32 v1, v4;
	v6 =	vcvt.s32.f32 v3;
	vm0 =	vlt.s32 v5, $0x7F  }
0x9e: {  	v3 =	vadd.s32 v3, v4;
	v5 =	vnsel vm0, $0x7F, v5  }
0x9f: {  	v6 =	vsub.f32 v2, v6;
	v2 =	vadd.s32 v4, v5;
	_ =	sdelay $0x1  }
0xa0: {  	v4 =	vsub.f32 $1.000000000e+00, v6;
	_ =	sdelay $0x1  }
0xa1: {  	[tilespmem:v3+s12+$0x0] =	vst.idx.msk $0xffff, v4  }
0xa2: {  	s19 =	simm.s32 $0x11280;
	s20 =	simm.s32 $0x10;
	s21 =	simm.s32 $0x11280;
	[tilespmem:v2+s12+$0x0] =	vst.idx.add.f32.msk $0xffff, v6  }
.LBB2_12:
0xa3: {  	p0 =	sne.s32 s20, $0x70;
	[tilespmem:s19+$0xFFFFFF80] =	vst v3;
	s21 =	sadd.s32 $0x10, s21;
	s18 =	sadd.s32 $0x10, s18  }
0xa4: {  	s22 =	smov.u32 s20;
	s20 =	sadd.s32 $0x10, s20;
	[tilespmem:s19+$0x0] =	vst v2;
	s19 =	smov.u32 s21  }
0xa5: {  	v2 =	vld [tilespmem:s18+$0x0];
	_ =	sdelay $0x4  }
0xa6: {  	v2 =	vmax.f32 v2, $-1.000000000e+00  }
0xa7: {  	v2 =	vmin.f32 v2, $1.000000000e+00  }
0xa8: {  	v2 =	vadd.f32 $1.000000000e+00, v2;
	_ =	sdelay $0x1  }
0xa9: {  	v2 =	vmul.f32 $6.350000000e+01, v2;
	_ =	sdelay $0x1  }
0xaa: {  	v2 =	vmax.f32 v2, $0.0e+00  }
0xab: {  	v2 =	vmin.f32 v2, $1.270000000e+02  }
0xac: {  	v3 =	vtrunc.f32 v2  }
0xad: {  	v3 =	vcvt.f32.s32 v3  }
0xae: {  	v4 =	vmov s22  }
0xaf: {  	v4 =	vshll.u32 v4, $0x7;
	v5 =	vcvt.s32.f32 v3;
	v6 =	vadd.s32 $0x1, v3  }
0xb0: {  	v4 =	vor.u32 v1, v4;
	vm0 =	vlt.s32 v6, $0x7F  }
0xb1: {  	v3 =	vadd.s32 v3, v4;
	v5 =	vsub.f32 v2, v5;
	v2 =	vnsel vm0, $0x7F, v6  }
0xb2: {  	v2 =	vadd.s32 v4, v2  }
.Ltmp5:
0xb3: {  	v4 =	vsub.f32 $1.000000000e+00, v5;
	(pc) =	sbr.rel @p0 .LBB2_12-.Ltmp5, $3  }
0xb4: {  	_ =	sdelay $0x1  }
0xb5: {  	[tilespmem:v3+s12+$0x0] =	vst.idx.msk $0xffff, v4  }
0xb6: {  	[tilespmem:v2+s12+$0x0] =	vst.idx.add.f32.msk $0xffff, v5  }
0xb7: {  	[tilespmem:s19+$0xFFFFFF80] =	vst v3  }
0xb8: {  	[tilespmem:s19+$0x0] =	vst v2;
	s19 =	simm.s32 $0x0;
	s18 =	simm.s32 $0x0;
	s20 =	simm.s32 $0x200  }
0xb9: {  	[hbm4b:s6+s19] =	stream.linear.scatter [tilespmem:s12], [sflag:$0x3], $0x4000, $0x38;
	[tilespmem:$0x11400] =	vst v63  }
.LBB2_14:
0xba: {  	p0 =	sne.s32 s20, $0xFE00;
	[tilespmem:s18+$0xD070] =	vst v0  }
0xbb: {  	[tilespmem:s18+$0xD000] =	vst v0  }
0xbc: {  	[tilespmem:s18+$0xD010] =	vst v0  }
.Ltmp6:
0xbd: {  	[tilespmem:s18+$0xD020] =	vst v0;
	(pc) =	sbr.rel @p0 .LBB2_14-.Ltmp6, $4  }
0xbe: {  	[tilespmem:s18+$0xD030] =	vst v0  }
0xbf: {  	[tilespmem:s18+$0xD040] =	vst v0  }
0xc0: {  	[tilespmem:s18+$0xD050] =	vst v0  }
0xc1: {  	[tilespmem:s18+$0xD060] =	vst v0;
	s18 =	sshra.s32 s20, $0x2;
	s20 =	sadd.s32 $0x200, s20  }
0xc2: {  	[tilespmem:s18+$0xD070] =	vst v0  }
0xc3: {  	[tilespmem:s18+$0xD000] =	vst v0  }
0xc4: {  	[tilespmem:s18+$0xD010] =	vst v0  }
0xc5: {  	[tilespmem:s18+$0xD020] =	vst v0  }
0xc6: {  	[tilespmem:s18+$0xD030] =	vst v0  }
0xc7: {  	[tilespmem:s18+$0xD040] =	vst v0  }
0xc8: {  	[tilespmem:s18+$0xD050] =	vst v0  }
0xc9: {  	[tilespmem:s18+$0xD060] =	vst v0;
	s18 =	simm.s32 $0x180  }
0xca: {  	v2 =	vld [tilespmem:s18+$0x0];
	_ =	sdelay $0x4  }
0xcb: {  	v2 =	vmax.f32 v2, $-1.000000000e+00  }
0xcc: {  	v2 =	vmin.f32 v2, $1.000000000e+00  }
0xcd: {  	v2 =	vadd.f32 $1.000000000e+00, v2;
	_ =	sdelay $0x1  }
0xce: {  	v2 =	vmul.f32 $6.350000000e+01, v2;
	_ =	sdelay $0x1  }
0xcf: {  	v2 =	vmax.f32 v2, $0.0e+00  }
0xd0: {  	v2 =	vmin.f32 v2, $1.270000000e+02  }
0xd1: {  	v3 =	vtrunc.f32 v2  }
0xd2: {  	v3 =	vcvt.f32.s32 v3  }
0xd3: {  	v4 =	vmov s19  }
0xd4: {  	v4 =	vshll.u32 v4, $0x7;
	v5 =	vadd.s32 $0x1, v3  }
0xd5: {  	v4 =	vor.u32 v1, v4;
	v6 =	vcvt.s32.f32 v3;
	vm0 =	vlt.s32 v5, $0x7F  }
0xd6: {  	v3 =	vadd.s32 v3, v4;
	v5 =	vnsel vm0, $0x7F, v5  }
0xd7: {  	v6 =	vsub.f32 v2, v6;
	v2 =	vadd.s32 v4, v5;
	_ =	sdelay $0x1  }
0xd8: {  	v4 =	vsub.f32 $1.000000000e+00, v6;
	_ =	sdelay $0x1  }
0xd9: {  	[tilespmem:v3+s13+$0x0] =	vst.idx.msk $0xffff, v4  }
0xda: {  	s19 =	simm.s32 $0x11380;
	s20 =	simm.s32 $0x10;
	s21 =	simm.s32 $0x11380;
	[tilespmem:v2+s13+$0x0] =	vst.idx.add.f32.msk $0xffff, v6  }
.LBB2_16:
0xdb: {  	p0 =	sne.s32 s20, $0x70;
	[tilespmem:s19+$0xFFFFFF80] =	vst v3;
	s21 =	sadd.s32 $0x10, s21;
	s18 =	sadd.s32 $0x10, s18  }
0xdc: {  	s22 =	smov.u32 s20;
	s20 =	sadd.s32 $0x10, s20;
	[tilespmem:s19+$0x0] =	vst v2;
	s19 =	smov.u32 s21  }
0xdd: {  	v2 =	vld [tilespmem:s18+$0x0];
	_ =	sdelay $0x4  }
0xde: {  	v2 =	vmax.f32 v2, $-1.000000000e+00  }
0xdf: {  	v2 =	vmin.f32 v2, $1.000000000e+00  }
0xe0: {  	v2 =	vadd.f32 $1.000000000e+00, v2;
	_ =	sdelay $0x1  }
0xe1: {  	v2 =	vmul.f32 $6.350000000e+01, v2;
	_ =	sdelay $0x1  }
0xe2: {  	v2 =	vmax.f32 v2, $0.0e+00  }
0xe3: {  	v2 =	vmin.f32 v2, $1.270000000e+02  }
0xe4: {  	v3 =	vtrunc.f32 v2  }
0xe5: {  	v3 =	vcvt.f32.s32 v3  }
0xe6: {  	v4 =	vmov s22  }
0xe7: {  	v4 =	vshll.u32 v4, $0x7;
	v5 =	vcvt.s32.f32 v3;
	v6 =	vadd.s32 $0x1, v3  }
0xe8: {  	v4 =	vor.u32 v1, v4;
	vm0 =	vlt.s32 v6, $0x7F  }
0xe9: {  	v3 =	vadd.s32 v3, v4;
	v5 =	vsub.f32 v2, v5;
	v2 =	vnsel vm0, $0x7F, v6  }
0xea: {  	v2 =	vadd.s32 v4, v2  }
.Ltmp7:
0xeb: {  	v4 =	vsub.f32 $1.000000000e+00, v5;
	(pc) =	sbr.rel @p0 .LBB2_16-.Ltmp7, $3  }
0xec: {  	_ =	sdelay $0x1  }
0xed: {  	[tilespmem:v3+s13+$0x0] =	vst.idx.msk $0xffff, v4  }
0xee: {  	[tilespmem:v2+s13+$0x0] =	vst.idx.add.f32.msk $0xffff, v5  }
0xef: {  	[tilespmem:s19+$0xFFFFFF80] =	vst v3  }
0xf0: {  	[tilespmem:s19+$0x0] =	vst v2;
	s18 =	simm.s32 $0x1;
	s19 =	simm.s32 $0x200  }
0xf1: {  	s20 =	simm.s32 $0x280;
	s21 =	simm.s32 $0x300;
	s22 =	simm.s32 $0x380  }
0xf2: {  	[hbm4b:s7+s2] =	stream.linear.scatter [tilespmem:s13], [sflag:$0x4], $0x4000, $0x38;
	[tilespmem:$0x11400] =	vst v63  }
.LBB2_18:
0xf3: {  	_ =	swait.ge [sflag:s9], $0x4000  }
0xf4: {  	[sflag:s9] =	ssyncset.done $0x0  }
0xf5: {  	[sflag:s9] =	ssyncadd.s32 $0xFFFFC000  }
0xf6: {  	v2 =	vld [tilespmem:$0x11000];
	_ =	sdelay $0x7  }
0xf7: {  	[tilespmem:v2+s10+$0x0] =	vst.idx.msk $0xffff, v0  }
0xf8: {  	v2 =	vld [tilespmem:$0x11080];
	_ =	sdelay $0x7  }
0xf9: {  	[tilespmem:v2+s10+$0x0] =	vst.idx.msk $0xffff, v0  }
0xfa: {  	v2 =	vld [tilespmem:$0x11010];
	_ =	sdelay $0x7  }
0xfb: {  	[tilespmem:v2+s10+$0x0] =	vst.idx.msk $0xffff, v0  }
0xfc: {  	v2 =	vld [tilespmem:$0x11090];
	_ =	sdelay $0x7  }
0xfd: {  	[tilespmem:v2+s10+$0x0] =	vst.idx.msk $0xffff, v0  }
0xfe: {  	v2 =	vld [tilespmem:$0x11020];
	_ =	sdelay $0x7  }
0xff: {  	[tilespmem:v2+s10+$0x0] =	vst.idx.msk $0xffff, v0  }
0x100: {  	v2 =	vld [tilespmem:$0x110A0];
	_ =	sdelay $0x7  }
0x101: {  	[tilespmem:v2+s10+$0x0] =	vst.idx.msk $0xffff, v0  }
0x102: {  	v2 =	vld [tilespmem:$0x11030];
	_ =	sdelay $0x7  }
0x103: {  	[tilespmem:v2+s10+$0x0] =	vst.idx.msk $0xffff, v0  }
0x104: {  	v2 =	vld [tilespmem:$0x110B0];
	_ =	sdelay $0x7  }
0x105: {  	[tilespmem:v2+s10+$0x0] =	vst.idx.msk $0xffff, v0  }
0x106: {  	v2 =	vld [tilespmem:$0x11040];
	_ =	sdelay $0x7  }
0x107: {  	[tilespmem:v2+s10+$0x0] =	vst.idx.msk $0xffff, v0  }
0x108: {  	v2 =	vld [tilespmem:$0x110C0];
	_ =	sdelay $0x7  }
0x109: {  	[tilespmem:v2+s10+$0x0] =	vst.idx.msk $0xffff, v0  }
0x10a: {  	v2 =	vld [tilespmem:$0x11050];
	_ =	sdelay $0x7  }
0x10b: {  	[tilespmem:v2+s10+$0x0] =	vst.idx.msk $0xffff, v0  }
0x10c: {  	v2 =	vld [tilespmem:$0x110D0];
	_ =	sdelay $0x7  }
0x10d: {  	[tilespmem:v2+s10+$0x0] =	vst.idx.msk $0xffff, v0  }
0x10e: {  	v2 =	vld [tilespmem:$0x11060];
	_ =	sdelay $0x7  }
0x10f: {  	[tilespmem:v2+s10+$0x0] =	vst.idx.msk $0xffff, v0  }
0x110: {  	v2 =	vld [tilespmem:$0x110E0];
	_ =	sdelay $0x7  }
0x111: {  	[tilespmem:v2+s10+$0x0] =	vst.idx.msk $0xffff, v0  }
0x112: {  	v2 =	vld [tilespmem:$0x11070];
	_ =	sdelay $0x7  }
0x113: {  	[tilespmem:v2+s10+$0x0] =	vst.idx.msk $0xffff, v0  }
0x114: {  	v2 =	vld [tilespmem:$0x110F0];
	_ =	sdelay $0x7  }
0x115: {  	[tilespmem:v2+s10+$0x0] =	vst.idx.msk $0xffff, v0  }
0x116: {  	v2 =	vld [tilespmem:s19+$0x0];
	_ =	sdelay $0x4  }
0x117: {  	v2 =	vmax.f32 v2, $-1.000000000e+00  }
0x118: {  	v2 =	vmin.f32 v2, $1.000000000e+00  }
0x119: {  	v2 =	vadd.f32 $1.000000000e+00, v2;
	_ =	sdelay $0x1  }
0x11a: {  	v2 =	vmul.f32 $6.350000000e+01, v2;
	_ =	sdelay $0x1  }
0x11b: {  	v2 =	vmax.f32 v2, $0.0e+00  }
0x11c: {  	v2 =	vmin.f32 v2, $1.270000000e+02  }
0x11d: {  	v3 =	vtrunc.f32 v2  }
0x11e: {  	s23 =	simm.s32 $0x0;
	v3 =	vcvt.f32.s32 v3  }
0x11f: {  	v4 =	vmov s23  }
0x120: {  	v4 =	vshll.u32 v4, $0x7;
	v5 =	vadd.s32 $0x1, v3  }
0x121: {  	v4 =	vor.u32 v1, v4;
	v6 =	vcvt.s32.f32 v3;
	vm0 =	vlt.s32 v5, $0x7F  }
0x122: {  	v3 =	vadd.s32 v3, v4;
	v5 =	vnsel vm0, $0x7F, v5  }
0x123: {  	v6 =	vsub.f32 v2, v6;
	v2 =	vadd.s32 v4, v5;
	_ =	sdelay $0x1  }
0x124: {  	v4 =	vsub.f32 $1.000000000e+00, v6;
	_ =	sdelay $0x1  }
0x125: {  	s24 =	simm.s32 $0x10;
	[tilespmem:v3+s10+$0x0] =	vst.idx.msk $0xffff, v4  }
0x126: {  	s25 =	simm.s32 $0x11080;
	s26 =	smov.u32 s19;
	s23 =	simm.s32 $0x11080;
	[tilespmem:v2+s10+$0x0] =	vst.idx.add.f32.msk $0xffff, v6  }
.LBB2_19:
0x127: {  	p0 =	sne.s32 s24, $0x70;
	[tilespmem:s23+$0xFFFFFF80] =	vst v3;
	s25 =	sadd.s32 $0x10, s25;
	s26 =	sadd.s32 $0x10, s26  }
0x128: {  	s28 =	smov.u32 s24;
	s24 =	sadd.s32 $0x10, s24;
	[tilespmem:s23+$0x0] =	vst v2;
	s23 =	smov.u32 s25  }
0x129: {  	v2 =	vld [tilespmem:s26+$0x0];
	_ =	sdelay $0x4  }
0x12a: {  	v2 =	vmax.f32 v2, $-1.000000000e+00  }
0x12b: {  	v2 =	vmin.f32 v2, $1.000000000e+00  }
0x12c: {  	v2 =	vadd.f32 $1.000000000e+00, v2;
	_ =	sdelay $0x1  }
0x12d: {  	v2 =	vmul.f32 $6.350000000e+01, v2;
	_ =	sdelay $0x1  }
0x12e: {  	v2 =	vmax.f32 v2, $0.0e+00  }
0x12f: {  	v2 =	vmin.f32 v2, $1.270000000e+02  }
0x130: {  	v3 =	vtrunc.f32 v2  }
0x131: {  	v3 =	vcvt.f32.s32 v3  }
0x132: {  	v4 =	vmov s28  }
0x133: {  	v4 =	vshll.u32 v4, $0x7;
	v5 =	vcvt.s32.f32 v3;
	v6 =	vadd.s32 $0x1, v3  }
0x134: {  	v4 =	vor.u32 v1, v4;
	vm0 =	vlt.s32 v6, $0x7F  }
0x135: {  	v3 =	vadd.s32 v3, v4;
	v5 =	vsub.f32 v2, v5;
	v2 =	vnsel vm0, $0x7F, v6  }
0x136: {  	v2 =	vadd.s32 v4, v2  }
.Ltmp8:
0x137: {  	v4 =	vsub.f32 $1.000000000e+00, v5;
	(pc) =	sbr.rel @p0 .LBB2_19-.Ltmp8, $3  }
0x138: {  	_ =	sdelay $0x1  }
0x139: {  	[tilespmem:v3+s10+$0x0] =	vst.idx.msk $0xffff, v4  }
0x13a: {  	[tilespmem:v2+s10+$0x0] =	vst.idx.add.f32.msk $0xffff, v5  }
0x13b: {  	[tilespmem:s23+$0xFFFFFF80] =	vst v3;
	s24 =	sshll.u32 s18, $0xD  }
0x13c: {  	[tilespmem:s23+$0x0] =	vst v2;
	s31 =	simm.s32 $0x0;
	s30 =	sadd.s32 s24, s3  }
0x13d: {  	[hbm4b:s30+s31] =	stream.linear.scatter [tilespmem:s10], [sflag:$0x1], $0x4000, $0x38;
	[tilespmem:$0x11400] =	vst v63  }
0x13e: {  	_ =	swait.ge [sflag:s14], $0x4000  }
0x13f: {  	[sflag:s14] =	ssyncset.done $0x0  }
0x140: {  	[sflag:s14] =	ssyncadd.s32 $0xFFFFC000  }
0x141: {  	v2 =	vld [tilespmem:$0x11100];
	_ =	sdelay $0x7  }
0x142: {  	[tilespmem:v2+s11+$0x0] =	vst.idx.msk $0xffff, v0  }
0x143: {  	v2 =	vld [tilespmem:$0x11180];
	_ =	sdelay $0x7  }
0x144: {  	[tilespmem:v2+s11+$0x0] =	vst.idx.msk $0xffff, v0  }
0x145: {  	v2 =	vld [tilespmem:$0x11110];
	_ =	sdelay $0x7  }
0x146: {  	[tilespmem:v2+s11+$0x0] =	vst.idx.msk $0xffff, v0  }
0x147: {  	v2 =	vld [tilespmem:$0x11190];
	_ =	sdelay $0x7  }
0x148: {  	[tilespmem:v2+s11+$0x0] =	vst.idx.msk $0xffff, v0  }
0x149: {  	v2 =	vld [tilespmem:$0x11120];
	_ =	sdelay $0x7  }
0x14a: {  	[tilespmem:v2+s11+$0x0] =	vst.idx.msk $0xffff, v0  }
0x14b: {  	v2 =	vld [tilespmem:$0x111A0];
	_ =	sdelay $0x7  }
0x14c: {  	[tilespmem:v2+s11+$0x0] =	vst.idx.msk $0xffff, v0  }
0x14d: {  	v2 =	vld [tilespmem:$0x11130];
	_ =	sdelay $0x7  }
0x14e: {  	[tilespmem:v2+s11+$0x0] =	vst.idx.msk $0xffff, v0  }
0x14f: {  	v2 =	vld [tilespmem:$0x111B0];
	_ =	sdelay $0x7  }
0x150: {  	[tilespmem:v2+s11+$0x0] =	vst.idx.msk $0xffff, v0  }
0x151: {  	v2 =	vld [tilespmem:$0x11140];
	_ =	sdelay $0x7  }
0x152: {  	[tilespmem:v2+s11+$0x0] =	vst.idx.msk $0xffff, v0  }
0x153: {  	v2 =	vld [tilespmem:$0x111C0];
	_ =	sdelay $0x7  }
0x154: {  	[tilespmem:v2+s11+$0x0] =	vst.idx.msk $0xffff, v0  }
0x155: {  	v2 =	vld [tilespmem:$0x11150];
	_ =	sdelay $0x7  }
0x156: {  	[tilespmem:v2+s11+$0x0] =	vst.idx.msk $0xffff, v0  }
0x157: {  	v2 =	vld [tilespmem:$0x111D0];
	_ =	sdelay $0x7  }
0x158: {  	[tilespmem:v2+s11+$0x0] =	vst.idx.msk $0xffff, v0  }
0x159: {  	v2 =	vld [tilespmem:$0x11160];
	_ =	sdelay $0x7  }
0x15a: {  	[tilespmem:v2+s11+$0x0] =	vst.idx.msk $0xffff, v0  }
0x15b: {  	v2 =	vld [tilespmem:$0x111E0];
	_ =	sdelay $0x7  }
0x15c: {  	[tilespmem:v2+s11+$0x0] =	vst.idx.msk $0xffff, v0  }
0x15d: {  	v2 =	vld [tilespmem:$0x11170];
	_ =	sdelay $0x7  }
0x15e: {  	[tilespmem:v2+s11+$0x0] =	vst.idx.msk $0xffff, v0  }
0x15f: {  	v2 =	vld [tilespmem:$0x111F0];
	_ =	sdelay $0x7  }
0x160: {  	[tilespmem:v2+s11+$0x0] =	vst.idx.msk $0xffff, v0  }
0x161: {  	v2 =	vld [tilespmem:s20+$0x0];
	_ =	sdelay $0x4  }
0x162: {  	v2 =	vmax.f32 v2, $-1.000000000e+00  }
0x163: {  	v2 =	vmin.f32 v2, $1.000000000e+00  }
0x164: {  	v2 =	vadd.f32 $1.000000000e+00, v2;
	_ =	sdelay $0x1  }
0x165: {  	v2 =	vmul.f32 $6.350000000e+01, v2;
	_ =	sdelay $0x1  }
0x166: {  	v2 =	vmax.f32 v2, $0.0e+00  }
0x167: {  	v2 =	vmin.f32 v2, $1.270000000e+02  }
0x168: {  	v3 =	vtrunc.f32 v2  }
0x169: {  	v3 =	vcvt.f32.s32 v3  }
0x16a: {  	v4 =	vmov s31  }
0x16b: {  	v4 =	vshll.u32 v4, $0x7;
	v5 =	vadd.s32 $0x1, v3  }
0x16c: {  	v4 =	vor.u32 v1, v4;
	v6 =	vcvt.s32.f32 v3;
	vm0 =	vlt.s32 v5, $0x7F  }
0x16d: {  	v3 =	vadd.s32 v3, v4;
	v5 =	vnsel vm0, $0x7F, v5  }
0x16e: {  	v6 =	vsub.f32 v2, v6;
	v2 =	vadd.s32 v4, v5;
	_ =	sdelay $0x1  }
0x16f: {  	v4 =	vsub.f32 $1.000000000e+00, v6;
	_ =	sdelay $0x1  }
0x170: {  	s23 =	sshll.u32 s18, $0x2;
	s25 =	simm.s32 $0x11180;
	s26 =	simm.s32 $0x10;
	[tilespmem:v3+s11+$0x0] =	vst.idx.msk $0xffff, v4  }
0x171: {  	s28 =	simm.s32 $0x11180;
	s29 =	smov.u32 s20;
	s24 =	sor.u32 $0x1, s23;
	[tilespmem:v2+s11+$0x0] =	vst.idx.add.f32.msk $0xffff, v6  }
.LBB2_21:
0x172: {  	p0 =	sne.s32 s26, $0x70;
	[tilespmem:s25+$0xFFFFFF80] =	vst v3;
	s28 =	sadd.s32 $0x10, s28;
	s29 =	sadd.s32 $0x10, s29  }
0x173: {  	s30 =	smov.u32 s26;
	s26 =	sadd.s32 $0x10, s26;
	[tilespmem:s25+$0x0] =	vst v2;
	s25 =	smov.u32 s28  }
0x174: {  	v2 =	vld [tilespmem:s29+$0x0];
	_ =	sdelay $0x4  }
0x175: {  	v2 =	vmax.f32 v2, $-1.000000000e+00  }
0x176: {  	v2 =	vmin.f32 v2, $1.000000000e+00  }
0x177: {  	v2 =	vadd.f32 $1.000000000e+00, v2;
	_ =	sdelay $0x1  }
0x178: {  	v2 =	vmul.f32 $6.350000000e+01, v2;
	_ =	sdelay $0x1  }
0x179: {  	v2 =	vmax.f32 v2, $0.0e+00  }
0x17a: {  	v2 =	vmin.f32 v2, $1.270000000e+02  }
0x17b: {  	v3 =	vtrunc.f32 v2  }
0x17c: {  	v3 =	vcvt.f32.s32 v3  }
0x17d: {  	v4 =	vmov s30  }
0x17e: {  	v4 =	vshll.u32 v4, $0x7;
	v5 =	vcvt.s32.f32 v3;
	v6 =	vadd.s32 $0x1, v3  }
0x17f: {  	v4 =	vor.u32 v1, v4;
	vm0 =	vlt.s32 v6, $0x7F  }
0x180: {  	v3 =	vadd.s32 v3, v4;
	v5 =	vsub.f32 v2, v5;
	v2 =	vnsel vm0, $0x7F, v6  }
0x181: {  	v2 =	vadd.s32 v4, v2  }
.Ltmp9:
0x182: {  	v4 =	vsub.f32 $1.000000000e+00, v5;
	(pc) =	sbr.rel @p0 .LBB2_21-.Ltmp9, $3  }
0x183: {  	_ =	sdelay $0x1  }
0x184: {  	[tilespmem:v3+s11+$0x0] =	vst.idx.msk $0xffff, v4  }
0x185: {  	[tilespmem:v2+s11+$0x0] =	vst.idx.add.f32.msk $0xffff, v5  }
0x186: {  	[tilespmem:s25+$0xFFFFFF80] =	vst v3;
	s24 =	sshll.u32 s24, $0xB  }
0x187: {  	[tilespmem:s25+$0x0] =	vst v2;
	s31 =	simm.s32 $0x0;
	s24 =	sadd.s32 s24, s3  }
0x188: {  	[hbm4b:s24+s31] =	stream.linear.scatter [tilespmem:s11], [sflag:$0x2], $0x4000, $0x38;
	[tilespmem:$0x11400] =	vst v63  }
0x189: {  	_ =	swait.ge [sflag:s15], $0x4000  }
0x18a: {  	[sflag:s15] =	ssyncset.done $0x0  }
0x18b: {  	[sflag:s15] =	ssyncadd.s32 $0xFFFFC000  }
0x18c: {  	v2 =	vld [tilespmem:$0x11200];
	_ =	sdelay $0x7  }
0x18d: {  	[tilespmem:v2+s12+$0x0] =	vst.idx.msk $0xffff, v0  }
0x18e: {  	v2 =	vld [tilespmem:$0x11280];
	_ =	sdelay $0x7  }
0x18f: {  	[tilespmem:v2+s12+$0x0] =	vst.idx.msk $0xffff, v0  }
0x190: {  	v2 =	vld [tilespmem:$0x11210];
	_ =	sdelay $0x7  }
0x191: {  	[tilespmem:v2+s12+$0x0] =	vst.idx.msk $0xffff, v0  }
0x192: {  	v2 =	vld [tilespmem:$0x11290];
	_ =	sdelay $0x7  }
0x193: {  	[tilespmem:v2+s12+$0x0] =	vst.idx.msk $0xffff, v0  }
0x194: {  	v2 =	vld [tilespmem:$0x11220];
	_ =	sdelay $0x7  }
0x195: {  	[tilespmem:v2+s12+$0x0] =	vst.idx.msk $0xffff, v0  }
0x196: {  	v2 =	vld [tilespmem:$0x112A0];
	_ =	sdelay $0x7  }
0x197: {  	[tilespmem:v2+s12+$0x0] =	vst.idx.msk $0xffff, v0  }
0x198: {  	v2 =	vld [tilespmem:$0x11230];
	_ =	sdelay $0x7  }
0x199: {  	[tilespmem:v2+s12+$0x0] =	vst.idx.msk $0xffff, v0  }
0x19a: {  	v2 =	vld [tilespmem:$0x112B0];
	_ =	sdelay $0x7  }
0x19b: {  	[tilespmem:v2+s12+$0x0] =	vst.idx.msk $0xffff, v0  }
0x19c: {  	v2 =	vld [tilespmem:$0x11240];
	_ =	sdelay $0x7  }
0x19d: {  	[tilespmem:v2+s12+$0x0] =	vst.idx.msk $0xffff, v0  }
0x19e: {  	v2 =	vld [tilespmem:$0x112C0];
	_ =	sdelay $0x7  }
0x19f: {  	[tilespmem:v2+s12+$0x0] =	vst.idx.msk $0xffff, v0  }
0x1a0: {  	v2 =	vld [tilespmem:$0x11250];
	_ =	sdelay $0x7  }
0x1a1: {  	[tilespmem:v2+s12+$0x0] =	vst.idx.msk $0xffff, v0  }
0x1a2: {  	v2 =	vld [tilespmem:$0x112D0];
	_ =	sdelay $0x7  }
0x1a3: {  	[tilespmem:v2+s12+$0x0] =	vst.idx.msk $0xffff, v0  }
0x1a4: {  	v2 =	vld [tilespmem:$0x11260];
	_ =	sdelay $0x7  }
0x1a5: {  	[tilespmem:v2+s12+$0x0] =	vst.idx.msk $0xffff, v0  }
0x1a6: {  	v2 =	vld [tilespmem:$0x112E0];
	_ =	sdelay $0x7  }
0x1a7: {  	[tilespmem:v2+s12+$0x0] =	vst.idx.msk $0xffff, v0  }
0x1a8: {  	v2 =	vld [tilespmem:$0x11270];
	_ =	sdelay $0x7  }
0x1a9: {  	[tilespmem:v2+s12+$0x0] =	vst.idx.msk $0xffff, v0  }
0x1aa: {  	v2 =	vld [tilespmem:$0x112F0];
	_ =	sdelay $0x7  }
0x1ab: {  	[tilespmem:v2+s12+$0x0] =	vst.idx.msk $0xffff, v0  }
0x1ac: {  	v2 =	vld [tilespmem:s21+$0x0];
	_ =	sdelay $0x4  }
0x1ad: {  	v2 =	vmax.f32 v2, $-1.000000000e+00  }
0x1ae: {  	v2 =	vmin.f32 v2, $1.000000000e+00  }
0x1af: {  	v2 =	vadd.f32 $1.000000000e+00, v2;
	_ =	sdelay $0x1  }
0x1b0: {  	v2 =	vmul.f32 $6.350000000e+01, v2;
	_ =	sdelay $0x1  }
0x1b1: {  	v2 =	vmax.f32 v2, $0.0e+00  }
0x1b2: {  	v2 =	vmin.f32 v2, $1.270000000e+02  }
0x1b3: {  	v3 =	vtrunc.f32 v2  }
0x1b4: {  	v3 =	vcvt.f32.s32 v3  }
0x1b5: {  	v4 =	vmov s31  }
0x1b6: {  	v4 =	vshll.u32 v4, $0x7;
	v5 =	vadd.s32 $0x1, v3  }
0x1b7: {  	v4 =	vor.u32 v1, v4;
	v6 =	vcvt.s32.f32 v3;
	vm0 =	vlt.s32 v5, $0x7F  }
0x1b8: {  	v3 =	vadd.s32 v3, v4;
	v5 =	vnsel vm0, $0x7F, v5  }
0x1b9: {  	v6 =	vsub.f32 v2, v6;
	v2 =	vadd.s32 v4, v5;
	_ =	sdelay $0x1  }
0x1ba: {  	v4 =	vsub.f32 $1.000000000e+00, v6;
	_ =	sdelay $0x1  }
0x1bb: {  	s25 =	simm.s32 $0x11280;
	s26 =	simm.s32 $0x10;
	[tilespmem:v3+s12+$0x0] =	vst.idx.msk $0xffff, v4  }
0x1bc: {  	s28 =	simm.s32 $0x11280;
	s29 =	smov.u32 s21;
	s24 =	sor.u32 $0x2, s23;
	[tilespmem:v2+s12+$0x0] =	vst.idx.add.f32.msk $0xffff, v6  }
.LBB2_23:
0x1bd: {  	p0 =	sne.s32 s26, $0x70;
	[tilespmem:s25+$0xFFFFFF80] =	vst v3;
	s28 =	sadd.s32 $0x10, s28;
	s29 =	sadd.s32 $0x10, s29  }
0x1be: {  	s30 =	smov.u32 s26;
	s26 =	sadd.s32 $0x10, s26;
	[tilespmem:s25+$0x0] =	vst v2;
	s25 =	smov.u32 s28  }
0x1bf: {  	v2 =	vld [tilespmem:s29+$0x0];
	_ =	sdelay $0x4  }
0x1c0: {  	v2 =	vmax.f32 v2, $-1.000000000e+00  }
0x1c1: {  	v2 =	vmin.f32 v2, $1.000000000e+00  }
0x1c2: {  	v2 =	vadd.f32 $1.000000000e+00, v2;
	_ =	sdelay $0x1  }
0x1c3: {  	v2 =	vmul.f32 $6.350000000e+01, v2;
	_ =	sdelay $0x1  }
0x1c4: {  	v2 =	vmax.f32 v2, $0.0e+00  }
0x1c5: {  	v2 =	vmin.f32 v2, $1.270000000e+02  }
0x1c6: {  	v3 =	vtrunc.f32 v2  }
0x1c7: {  	v3 =	vcvt.f32.s32 v3  }
0x1c8: {  	v4 =	vmov s30  }
0x1c9: {  	v4 =	vshll.u32 v4, $0x7;
	v5 =	vcvt.s32.f32 v3;
	v6 =	vadd.s32 $0x1, v3  }
0x1ca: {  	v4 =	vor.u32 v1, v4;
	vm0 =	vlt.s32 v6, $0x7F  }
0x1cb: {  	v3 =	vadd.s32 v3, v4;
	v5 =	vsub.f32 v2, v5;
	v2 =	vnsel vm0, $0x7F, v6  }
0x1cc: {  	v2 =	vadd.s32 v4, v2  }
.Ltmp10:
0x1cd: {  	v4 =	vsub.f32 $1.000000000e+00, v5;
	(pc) =	sbr.rel @p0 .LBB2_23-.Ltmp10, $3  }
0x1ce: {  	_ =	sdelay $0x1  }
0x1cf: {  	[tilespmem:v3+s12+$0x0] =	vst.idx.msk $0xffff, v4  }
0x1d0: {  	[tilespmem:v2+s12+$0x0] =	vst.idx.add.f32.msk $0xffff, v5  }
0x1d1: {  	[tilespmem:s25+$0xFFFFFF80] =	vst v3;
	s24 =	sshll.u32 s24, $0xB  }
0x1d2: {  	[tilespmem:s25+$0x0] =	vst v2;
	s31 =	simm.s32 $0x0;
	s24 =	sadd.s32 s24, s3  }
0x1d3: {  	[hbm4b:s24+s31] =	stream.linear.scatter [tilespmem:s12], [sflag:$0x3], $0x4000, $0x38;
	[tilespmem:$0x11400] =	vst v63  }
0x1d4: {  	_ =	swait.ge [sflag:s16], $0x4000  }
0x1d5: {  	[sflag:s16] =	ssyncset.done $0x0  }
0x1d6: {  	[sflag:s16] =	ssyncadd.s32 $0xFFFFC000  }
0x1d7: {  	v2 =	vld [tilespmem:$0x11300];
	_ =	sdelay $0x7  }
0x1d8: {  	[tilespmem:v2+s13+$0x0] =	vst.idx.msk $0xffff, v0  }
0x1d9: {  	v2 =	vld [tilespmem:$0x11380];
	_ =	sdelay $0x7  }
0x1da: {  	[tilespmem:v2+s13+$0x0] =	vst.idx.msk $0xffff, v0  }
0x1db: {  	v2 =	vld [tilespmem:$0x11310];
	_ =	sdelay $0x7  }
0x1dc: {  	[tilespmem:v2+s13+$0x0] =	vst.idx.msk $0xffff, v0  }
0x1dd: {  	v2 =	vld [tilespmem:$0x11390];
	_ =	sdelay $0x7  }
0x1de: {  	[tilespmem:v2+s13+$0x0] =	vst.idx.msk $0xffff, v0  }
0x1df: {  	v2 =	vld [tilespmem:$0x11320];
	_ =	sdelay $0x7  }
0x1e0: {  	[tilespmem:v2+s13+$0x0] =	vst.idx.msk $0xffff, v0  }
0x1e1: {  	v2 =	vld [tilespmem:$0x113A0];
	_ =	sdelay $0x7  }
0x1e2: {  	[tilespmem:v2+s13+$0x0] =	vst.idx.msk $0xffff, v0  }
0x1e3: {  	v2 =	vld [tilespmem:$0x11330];
	_ =	sdelay $0x7  }
0x1e4: {  	[tilespmem:v2+s13+$0x0] =	vst.idx.msk $0xffff, v0  }
0x1e5: {  	v2 =	vld [tilespmem:$0x113B0];
	_ =	sdelay $0x7  }
0x1e6: {  	[tilespmem:v2+s13+$0x0] =	vst.idx.msk $0xffff, v0  }
0x1e7: {  	v2 =	vld [tilespmem:$0x11340];
	_ =	sdelay $0x7  }
0x1e8: {  	[tilespmem:v2+s13+$0x0] =	vst.idx.msk $0xffff, v0  }
0x1e9: {  	v2 =	vld [tilespmem:$0x113C0];
	_ =	sdelay $0x7  }
0x1ea: {  	[tilespmem:v2+s13+$0x0] =	vst.idx.msk $0xffff, v0  }
0x1eb: {  	v2 =	vld [tilespmem:$0x11350];
	_ =	sdelay $0x7  }
0x1ec: {  	[tilespmem:v2+s13+$0x0] =	vst.idx.msk $0xffff, v0  }
0x1ed: {  	v2 =	vld [tilespmem:$0x113D0];
	_ =	sdelay $0x7  }
0x1ee: {  	[tilespmem:v2+s13+$0x0] =	vst.idx.msk $0xffff, v0  }
0x1ef: {  	v2 =	vld [tilespmem:$0x11360];
	_ =	sdelay $0x7  }
0x1f0: {  	[tilespmem:v2+s13+$0x0] =	vst.idx.msk $0xffff, v0  }
0x1f1: {  	v2 =	vld [tilespmem:$0x113E0];
	_ =	sdelay $0x7  }
0x1f2: {  	[tilespmem:v2+s13+$0x0] =	vst.idx.msk $0xffff, v0  }
0x1f3: {  	v2 =	vld [tilespmem:$0x11370];
	_ =	sdelay $0x7  }
0x1f4: {  	[tilespmem:v2+s13+$0x0] =	vst.idx.msk $0xffff, v0  }
0x1f5: {  	v2 =	vld [tilespmem:$0x113F0];
	_ =	sdelay $0x7  }
0x1f6: {  	[tilespmem:v2+s13+$0x0] =	vst.idx.msk $0xffff, v0  }
0x1f7: {  	v2 =	vld [tilespmem:s22+$0x0];
	_ =	sdelay $0x4  }
0x1f8: {  	v2 =	vmax.f32 v2, $-1.000000000e+00  }
0x1f9: {  	v2 =	vmin.f32 v2, $1.000000000e+00  }
0x1fa: {  	v2 =	vadd.f32 $1.000000000e+00, v2;
	_ =	sdelay $0x1  }
0x1fb: {  	v2 =	vmul.f32 $6.350000000e+01, v2;
	_ =	sdelay $0x1  }
0x1fc: {  	v2 =	vmax.f32 v2, $0.0e+00  }
0x1fd: {  	v2 =	vmin.f32 v2, $1.270000000e+02  }
0x1fe: {  	v3 =	vtrunc.f32 v2  }
0x1ff: {  	v3 =	vcvt.f32.s32 v3  }
0x200: {  	v4 =	vmov s31  }
0x201: {  	v4 =	vshll.u32 v4, $0x7;
	v5 =	vadd.s32 $0x1, v3  }
0x202: {  	v4 =	vor.u32 v1, v4;
	v6 =	vcvt.s32.f32 v3;
	vm0 =	vlt.s32 v5, $0x7F  }
0x203: {  	v3 =	vadd.s32 v3, v4;
	v5 =	vnsel vm0, $0x7F, v5  }
0x204: {  	v6 =	vsub.f32 v2, v6;
	v2 =	vadd.s32 v4, v5;
	_ =	sdelay $0x1  }
0x205: {  	v4 =	vsub.f32 $1.000000000e+00, v6;
	_ =	sdelay $0x1  }
0x206: {  	s23 =	sor.u32 $0x3, s23;
	s25 =	simm.s32 $0x10;
	[tilespmem:v3+s13+$0x0] =	vst.idx.msk $0xffff, v4  }
0x207: {  	s26 =	simm.s32 $0x11380;
	s28 =	smov.u32 s22;
	s24 =	simm.s32 $0x11380;
	[tilespmem:v2+s13+$0x0] =	vst.idx.add.f32.msk $0xffff, v6  }
.LBB2_25:
0x208: {  	p0 =	sne.s32 s25, $0x70;
	[tilespmem:s24+$0xFFFFFF80] =	vst v3;
	s26 =	sadd.s32 $0x10, s26;
	s28 =	sadd.s32 $0x10, s28  }
0x209: {  	s29 =	smov.u32 s25;
	s25 =	sadd.s32 $0x10, s25;
	[tilespmem:s24+$0x0] =	vst v2;
	s24 =	smov.u32 s26  }
0x20a: {  	v2 =	vld [tilespmem:s28+$0x0];
	_ =	sdelay $0x4  }
0x20b: {  	v2 =	vmax.f32 v2, $-1.000000000e+00  }
0x20c: {  	v2 =	vmin.f32 v2, $1.000000000e+00  }
0x20d: {  	v2 =	vadd.f32 $1.000000000e+00, v2;
	_ =	sdelay $0x1  }
0x20e: {  	v2 =	vmul.f32 $6.350000000e+01, v2;
	_ =	sdelay $0x1  }
0x20f: {  	v2 =	vmax.f32 v2, $0.0e+00  }
0x210: {  	v2 =	vmin.f32 v2, $1.270000000e+02  }
0x211: {  	v3 =	vtrunc.f32 v2  }
0x212: {  	v3 =	vcvt.f32.s32 v3  }
0x213: {  	v4 =	vmov s29  }
0x214: {  	v4 =	vshll.u32 v4, $0x7;
	v5 =	vcvt.s32.f32 v3;
	v6 =	vadd.s32 $0x1, v3  }
0x215: {  	v4 =	vor.u32 v1, v4;
	vm0 =	vlt.s32 v6, $0x7F  }
0x216: {  	v3 =	vadd.s32 v3, v4;
	v5 =	vsub.f32 v2, v5;
	v2 =	vnsel vm0, $0x7F, v6  }
0x217: {  	v2 =	vadd.s32 v4, v2  }
.Ltmp11:
0x218: {  	v4 =	vsub.f32 $1.000000000e+00, v5;
	(pc) =	sbr.rel @p0 .LBB2_25-.Ltmp11, $3  }
0x219: {  	_ =	sdelay $0x1  }
0x21a: {  	[tilespmem:v3+s13+$0x0] =	vst.idx.msk $0xffff, v4  }
0x21b: {  	[tilespmem:v2+s13+$0x0] =	vst.idx.add.f32.msk $0xffff, v5  }
0x21c: {  	s18 =	sadd.s32 $0x1, s18  }
0x21d: {  	p0 =	sne.s32 s18, $0x8  }
.Ltmp12:
0x21e: {  	_ = 	snop;
	(pc) =	sbr.rel @p0 .LBB2_18-.Ltmp12, $4  }
0x21f: {  	_ = 	snop  }
0x220: {  	[tilespmem:s24+$0xFFFFFF80] =	vst v3;
	s23 =	sshll.u32 s23, $0xB;
	s19 =	sadd.s32 $0x200, s19;
	s20 =	sadd.s32 $0x200, s20  }
0x221: {  	[tilespmem:s24+$0x0] =	vst v2;
	s21 =	sadd.s32 $0x200, s21;
	s22 =	sadd.s32 $0x200, s22;
	s23 =	sadd.s32 s23, s3  }
0x222: {  	[hbm4b:s23+s2] =	stream.linear.scatter [tilespmem:s13], [sflag:$0x4], $0x4000, $0x38;
	[tilespmem:$0x11400] =	vst v63  }
0x223: {  	_ =	swait.ge [sflag:s9], $0x4000  }
0x224: {  	[sflag:s9] =	ssyncset.done $0x0  }
0x225: {  	[sflag:s9] =	ssyncadd.s32 $0xFFFFC000  }
0x226: {  	_ =	swait.ge [sflag:s14], $0x4000  }
0x227: {  	[sflag:s14] =	ssyncset.done $0x0  }
0x228: {  	s17 =	sadd.s32 $0x1, s17;
	[sflag:s14] =	ssyncadd.s32 $0xFFFFC000  }
0x229: {  	p0 =	sne.s32 s17, s8;
	_ =	swait.ge [sflag:s15], $0x4000  }
.Ltmp13:
0x22a: {  	[sflag:s15] =	ssyncset.done $0x0;
	(pc) =	sbr.rel @p0 .LBB2_1-.Ltmp13, $4  }
0x22b: {  	[sflag:s15] =	ssyncadd.s32 $0xFFFFC000  }
0x22c: {  	_ =	swait.ge [sflag:s16], $0x4000  }
0x22d: {  	[sflag:s16] =	ssyncset.done $0x0  }
0x22e: {  	[sflag:s16] =	ssyncadd.s32 $0xFFFFC000  }
0x22f: {  	_ =	sfence.sel $0x180000  }
0x230: {  	[bflag:$0x0] =	sbarrier.arrive $0xFFFF  }
0x231: {  	p0 =	sne.s32 s1, $0x0;
	_ =	strace $0x90000047  }
0x232: {  	s0 =	sadd.s32 @!p0 $0x100000, s0;
	[bflag:$0x2] =	sbarrier.arrive $0xFFFF  }
0x233: {  	[sflag:s0] =	ssyncadd.tile.s32 @!p0 $0x1;
	_ =	shalt  }
.Lfunc_end2:
_tile_overlayer_lowered:
.L_overlay_start_2:
0x234: {  	(tag) =	ssettag $0x2  }
0x235: {  	s0 =	rddreg [dreg:$0x0];
	s2 =	stileid.u32  }
0x236: {  	s1 =	rddreg [dreg:$0x1];
	p0 =	sne.s32 s2, $0x0  }
0x237: {  	s3 =	rddreg [dreg:$0x2];
	[bflag:$0x3] =	sbarrier.arrive $0xFFFF;
	s2 =	simm.s32 @!p0 $0x1C05  }
0x238: {  	[timem:s3], [sflag:s2] =	dma.local @!p0 [hbm:s0], s1  }
0x239: {  	s0 =	simm.s32 @!p0 $0x5  }
0x23a: {  	_ =	swait.ge @!p0 [sflag:s0], s1  }
0x23b: {  	s1 =	ssub.s32 @!p0 $0x0, s1;
	[sflag:s0] =	ssyncset.done @!p0 $0x0  }
0x23c: {  	[sflag:s0] =	ssyncadd.s32 @!p0 s1  }
0x23d: {  	[bflag:$0x3] =	sbarrier.arrive $0xFFFF  }
0x23e: {  	_ =	shalt  }

</sc_bundles>
